<compile_context>
chip_gen: v7x
topology: tpu7x:2x2x1
jax: 0.10.2.dev20260603
libtpu: 0.0.44.dev20260713+nightly
codegen_flags: <defaults>
</compile_context>

<pallas_src>
import functools

import jax
import jax.numpy as jnp
from jax import lax
from jax.experimental import pallas as pl
from jax.experimental.pallas import tpu as pltpu
from jax.experimental.pallas import tpu_sc as plsc

N_FIELDS = 26
VOCAB = 100000
EMBED = 16
COND_DIM = N_FIELDS * EMBED
BATCH = 16384

NW = 32
ROWS_PER_W = COND_DIM // NW
BCH = 4096
NCH = BATCH // BCH
L = 16
QSTARTS = (0, 25088, 50176, 75264, 99968)
QLENS = (25088, 25088, 25088, 24704, 32)


def _make_sc_gather():
    mesh = plsc.VectorSubcoreMesh(core_axis_name="c", subcore_axis_name="s")

    @functools.partial(
        pl.kernel,
        mesh=mesh,
        out_type=jax.ShapeDtypeStruct((COND_DIM, BATCH), jnp.float32),
        scratch_types=[
            pltpu.VMEM((VOCAB,), jnp.float32),
            pltpu.VMEM((BATCH,), jnp.int32),
            pltpu.VMEM((BCH,), jnp.float32),
            pltpu.VMEM((BCH,), jnp.float32),
            pltpu.SemaphoreType.DMA,
            pltpu.SemaphoreType.DMA,
            pltpu.SemaphoreType.DMA,
        ],
        compiler_params=pltpu.CompilerParams(
            use_tc_tiling_on_sc=True,
            needs_layout_passes=False,
            disable_bounds_checks=True,
        ),
    )
    def gather_k(ttab_hbm, condt_hbm, xt_hbm, row_v, idx_v, ob0, ob1, sem0, sem1, semr):
        wid = lax.axis_index("s") * 2 + lax.axis_index("c")
        r0 = wid * ROWS_PER_W

        obufs = (ob0, ob1)
        osems = (sem0, sem1)

        def do_row(r, _):
            f = r // EMBED
            @pl.when(jnp.logical_or(r == r0, lax.rem(r, EMBED) == 0))
            def _load_idx():
                pltpu.sync_copy(condt_hbm.at[f], idx_v)

            pltpu.sync_copy(ttab_hbm.at[r], row_v)

            for c in range(NCH):
                ob = obufs[c % 2]
                sem = osems[c % 2]
                if c >= 2:
                    pltpu.make_async_copy(ob, xt_hbm.at[r, pl.ds(0, BCH)], sem).wait()

                @plsc.parallel_loop(0, BCH, L, unroll=16)
                def _gather(i):
                    idx = idx_v[pl.ds(c * BCH + i, L)]
                    ob[pl.ds(i, L)] = plsc.load_gather(row_v, [idx])

                pltpu.async_copy(ob, xt_hbm.at[r, pl.ds(c * BCH, BCH)], sem)

            pltpu.make_async_copy(ob0, xt_hbm.at[r, pl.ds(0, BCH)], sem0).wait()
            pltpu.make_async_copy(ob1, xt_hbm.at[r, pl.ds(0, BCH)], sem1).wait()
            return 0

        lax.fori_loop(r0, r0 + ROWS_PER_W, do_row, 0)

    return gather_k


_sc_gather = _make_sc_gather()


def _mlp_body(xt_ref, w1_ref, b1_ref, w2_ref, b2_ref, ot_ref):
    xt = xt_ref[...]
    h = jnp.dot(w1_ref[...], xt, preferred_element_type=jnp.float32) + b1_ref[...]
    h = h * jax.nn.sigmoid(h)
    ot_ref[...] = jnp.dot(w2_ref[...], h, preferred_element_type=jnp.float32) + b2_ref[...]


def _mlp_t(xt, w1, b1, w2, b2):
    bn = 4096
    grid = (BATCH // bn,)
    return pl.pallas_call(
        _mlp_body,
        grid=grid,
        in_specs=[
            pl.BlockSpec((COND_DIM, bn), lambda i: (0, i)),
            pl.BlockSpec((COND_DIM, COND_DIM), lambda i: (0, 0)),
            pl.BlockSpec((COND_DIM, 1), lambda i: (0, 0)),
            pl.BlockSpec((COND_DIM, COND_DIM), lambda i: (0, 0)),
            pl.BlockSpec((COND_DIM, 1), lambda i: (0, 0)),
        ],
        out_specs=pl.BlockSpec((COND_DIM, bn), lambda i: (0, i)),
        out_shape=jax.ShapeDtypeStruct((COND_DIM, BATCH), jnp.float32),
    )(xt, w1, b1, w2, b2)


def kernel(condition, tables, W1, b1, W2, b2):
    ttab = tables.transpose(0, 2, 1).reshape(COND_DIM, VOCAB)
    condt = condition.T
    xt = _sc_gather(ttab, condt)
    ot = _mlp_t(xt, W1, b1.reshape(COND_DIM, 1), W2, b2.reshape(COND_DIM, 1))
    return ot.T

# --- scband reference (transcript-rebuilt; emitter-appended) ---
"""Pipeline reference for scband-condition-encoder-21165598835400 (READ-ONLY COPY).

The authoritative reference and input builder live on the scoring server;
editing this copy changes nothing except your own understanding.
"""

import jax, jax.numpy as jnp
import numpy as np

# The torch module references a module-level global CONDITION_CARDINALITIES.
# We model 26 categorical condition fields, each with cardinality 100000.
N_FIELDS = 26
VOCAB = 100000
COND_DIM = 416
EMBED_DIM = 16  # max(8, ceil(416 / 26)) == 16
BATCH = 16384


def setup_inputs(seed: int = 0) -> dict:
    key = jax.random.key(seed)
    ks = jax.random.split(key, 7)
    condition = jax.random.randint(ks[0], (BATCH, N_FIELDS), 0, VOCAB, dtype=jnp.int32)
    # 26 embedding tables, all same cardinality -> pack as [N_FIELDS, VOCAB, EMBED_DIM]
    tables = jax.random.normal(ks[1], (N_FIELDS, VOCAB, EMBED_DIM), dtype=jnp.float32) * 0.02
    # proj: Linear(416 -> 416), SiLU, Linear(416 -> 416). torch weight layout [out, in]
    in1 = EMBED_DIM * N_FIELDS
    W1 = jax.random.normal(ks[2], (COND_DIM, in1), dtype=jnp.float32) * (1.0 / np.sqrt(in1))
    b1 = jax.random.normal(ks[3], (COND_DIM,), dtype=jnp.float32) * 0.01
    W2 = jax.random.normal(ks[4], (COND_DIM, COND_DIM), dtype=jnp.float32) * (1.0 / np.sqrt(COND_DIM))
    b2 = jax.random.normal(ks[5], (COND_DIM,), dtype=jnp.float32) * 0.01
    return {"condition": condition, "tables": tables, "W1": W1, "b1": b1, "W2": W2, "b2": b2}


def reference(condition, tables, W1, b1, W2, b2):
    # per-field embedding lookup: chunks[i] = tables[i][condition[:, i]]
    field_idx = jnp.arange(N_FIELDS)[None, :]  # [1, N_FIELDS]
    gathered = tables[field_idx, condition]    # [B, N_FIELDS, EMBED_DIM]
    x = gathered.reshape(condition.shape[0], N_FIELDS * EMBED_DIM)  # cat(chunks, -1)
    h = x @ W1.T + b1
    h = h * jax.nn.sigmoid(h)  # SiLU
    out = h @ W2.T + b2
    return out

if __name__ == "__main__":
    import jax
    _d = setup_inputs()
    print(jax.jit(kernel)(*tuple(_d.values())))

</pallas_src>

<mosaic_0001>
#map = affine_map<(d0, d1) -> (0, 0)>
module attributes {stable_mosaic.version = 14 : i64} {
  func.func @gather_k(%arg0: i32, %arg1: i32, %arg2: memref<416x100000xf32, #tpu.memory_space<hbm>>, %arg3: memref<26x16384xi32, #tpu.memory_space<hbm>>, %arg4: memref<416x16384xf32, #tpu.memory_space<hbm>>, %arg5: memref<100000xf32, #tpu.memory_space<vmem>>, %arg6: memref<16384xi32, #tpu.memory_space<vmem>>, %arg7: memref<4096xf32, #tpu.memory_space<vmem>>, %arg8: memref<4096xf32, #tpu.memory_space<vmem>>, %arg9: memref<!tpu.dma_semaphore, #tpu.memory_space<semaphore_mem>>, %arg10: memref<!tpu.dma_semaphore, #tpu.memory_space<semaphore_mem>>, %arg11: memref<!tpu.dma_semaphore, #tpu.memory_space<semaphore_mem>>) attributes {dimension_semantics = [#tpu.dimension_semantics<core_parallel>, #tpu.dimension_semantics<subcore_parallel>], iteration_bounds = array<i64: 2, 16>, scalar_prefetch = 0 : i64, scratch_operands = 7 : i64, tpu.core_type = #tpu.core_type<sc_vector_subcore>, window_params = [{transform_indices = #map}, {transform_indices = #map}, {transform_indices = #map}]} {
    %mul3A = arith.constant 2 : i32
    %mul3A_0 = arith.muli %arg1, %mul3A : i32
    %add3A = arith.addi %mul3A_0, %arg0 : i32
    %mul3A_1 = arith.constant 13 : i32
    %mul3A_2 = arith.muli %add3A, %mul3A_1 : i32
    %add3A_3 = arith.constant 13 : i32
    %add3A_4 = arith.addi %mul3A_2, %add3A_3 : i32
    %while3A = arith.constant 0 : i32
    %while3A_5 = arith.subi %add3A_4, %mul3A_2 : i32
    %while3A_6 = arith.addi %mul3A_2, %while3A_5 : i32
    %while3A_7 = arith.constant 1 : i32
    %while3A_8 = arith.divsi %while3A_5, %while3A_7 : i32
    %while3A_9 = arith.muli %while3A_8, %while3A_7 : i32
    %while3A_10 = arith.addi %mul3A_2, %while3A_9 : i32
    %while3A_11 = arith.constant 1 : i32
    %while3A_12 = scf.for %while3A_15 = %mul3A_2 to %while3A_10 step %while3A_11 iter_args(%while3A_16 = %while3A) -> (i32)  : i32 {
      %jit3A = arith.constant 16 : i32
      %div3A = arith.divsi %while3A_15, %jit3A : i32
      %sign3A = arith.constant 0 : i32
      %sign3A_17 = arith.cmpi sgt, %while3A_15, %sign3A : i32
      %sign3A_18 = arith.extui %sign3A_17 : i1 to i32
      %sign3A_19 = arith.constant 0 : i32
      %sign3A_20 = arith.cmpi slt, %while3A_15, %sign3A_19 : i32
      %sign3A_21 = arith.extui %sign3A_20 : i1 to i32
      %sign3A_22 = arith.subi %sign3A_18, %sign3A_21 : i32
      %sign3A_23 = arith.constant 0 : i32
      %sign3A_24 = arith.cmpi sgt, %jit3A, %sign3A_23 : i32
      %sign3A_25 = arith.extui %sign3A_24 : i1 to i32
      %sign3A_26 = arith.constant 0 : i32
      %sign3A_27 = arith.cmpi slt, %jit3A, %sign3A_26 : i32
      %sign3A_28 = arith.extui %sign3A_27 : i1 to i32
      %sign3A_29 = arith.subi %sign3A_25, %sign3A_28 : i32
      %ne3A = arith.cmpi ne, %sign3A_22, %sign3A_29 : i32
      %rem3A = arith.remsi %while3A_15, %jit3A : i32
      %ne3A_30 = arith.constant 0 : i32
      %ne3A_31 = arith.cmpi ne, %rem3A, %ne3A_30 : i32
      %and3A = arith.andi %ne3A, %ne3A_31 : i1
      %sub3A = arith.constant 1 : i32
      %sub3A_32 = arith.subi %div3A, %sub3A : i32
      %select_n3A = arith.select %and3A, %sub3A_32, %div3A : i32
      %eq3A = arith.cmpi eq, %while3A_15, %mul3A_2 : i32
      %rem3A_33 = arith.constant 16 : i32
      %rem3A_34 = arith.remsi %while3A_15, %rem3A_33 : i32
      %eq3A_35 = arith.constant 0 : i32
      %eq3A_36 = arith.cmpi eq, %rem3A_34, %eq3A_35 : i32
      %or3A = arith.ori %eq3A, %eq3A_36 : i1
      %convert_element_type3A = arith.extui %or3A : i1 to i32
      %cond3A = arith.constant 0 : i32
      %cond3A_37 = arith.cmpi ne, %convert_element_type3A, %cond3A : i32
      scf.if %cond3A_37 {
        "tpu.region"() ({
          %run_scoped3A = tpu.sem_alloc : memref<!tpu.dma_semaphore, #tpu.memory_space<semaphore_mem>>
          %dma_start3A_96 = arith.constant 0 : i32
          %dma_start3A_97 = tpu.memref_slice %arg3[%select_n3A, %dma_start3A_96] : memref<26x16384xi32, #tpu.memory_space<hbm>> -> memref<1x16384xi32, #tpu.memory_space<hbm>>
          %dma_start3A_98 = tpu.memref_squeeze %dma_start3A_97 : memref<1x16384xi32, #tpu.memory_space<hbm>> -> memref<16384xi32, #tpu.memory_space<hbm>>
          %dma_start3A_99 = arith.constant 0 : i32
          %dma_start3A_100 = tpu.memref_slice %arg3[%select_n3A, %dma_start3A_99] : memref<26x16384xi32, #tpu.memory_space<hbm>> -> memref<1x16384xi32, #tpu.memory_space<hbm>>
          %dma_start3A_101 = tpu.memref_squeeze %dma_start3A_100 : memref<1x16384xi32, #tpu.memory_space<hbm>> -> memref<16384xi32, #tpu.memory_space<hbm>>
          tpu.enqueue_dma source(%dma_start3A_101 : memref<16384xi32, #tpu.memory_space<hbm>>) target(%arg6 : memref<16384xi32, #tpu.memory_space<vmem>>) target_semaphore(%run_scoped3A : memref<!tpu.dma_semaphore, #tpu.memory_space<semaphore_mem>>)
          %dma_wait3A_102 = arith.constant 0 : i32
          %dma_wait3A_103 = tpu.memref_slice %arg3[%select_n3A, %dma_wait3A_102] : memref<26x16384xi32, #tpu.memory_space<hbm>> -> memref<1x16384xi32, #tpu.memory_space<hbm>>
          %dma_wait3A_104 = tpu.memref_squeeze %dma_wait3A_103 : memref<1x16384xi32, #tpu.memory_space<hbm>> -> memref<16384xi32, #tpu.memory_space<hbm>>
          %dma_wait3A_105 = arith.constant 0 : i32
          %dma_wait3A_106 = tpu.memref_slice %arg3[%select_n3A, %dma_wait3A_105] : memref<26x16384xi32, #tpu.memory_space<hbm>> -> memref<1x16384xi32, #tpu.memory_space<hbm>>
          %dma_wait3A_107 = tpu.memref_squeeze %dma_wait3A_106 : memref<1x16384xi32, #tpu.memory_space<hbm>> -> memref<16384xi32, #tpu.memory_space<hbm>>
          tpu.wait_dma2 semaphore(%run_scoped3A : memref<!tpu.dma_semaphore, #tpu.memory_space<semaphore_mem>>) src(%dma_wait3A_107 : memref<16384xi32, #tpu.memory_space<hbm>>) dst(%arg6 : memref<16384xi32, #tpu.memory_space<vmem>>)
          tpu.yield
        }) : () -> ()
      } else {
      }
      "tpu.region"() ({
        %run_scoped3A = tpu.sem_alloc : memref<!tpu.dma_semaphore, #tpu.memory_space<semaphore_mem>>
        %dma_start3A_96 = arith.constant 0 : i32
        %dma_start3A_97 = tpu.memref_slice %arg2[%while3A_15, %dma_start3A_96] : memref<416x100000xf32, #tpu.memory_space<hbm>> -> memref<1x100000xf32, #tpu.memory_space<hbm>>
        %dma_start3A_98 = tpu.memref_squeeze %dma_start3A_97 : memref<1x100000xf32, #tpu.memory_space<hbm>> -> memref<100000xf32, #tpu.memory_space<hbm>>
        %dma_start3A_99 = arith.constant 0 : i32
        %dma_start3A_100 = tpu.memref_slice %arg2[%while3A_15, %dma_start3A_99] : memref<416x100000xf32, #tpu.memory_space<hbm>> -> memref<1x100000xf32, #tpu.memory_space<hbm>>
        %dma_start3A_101 = tpu.memref_squeeze %dma_start3A_100 : memref<1x100000xf32, #tpu.memory_space<hbm>> -> memref<100000xf32, #tpu.memory_space<hbm>>
        tpu.enqueue_dma source(%dma_start3A_101 : memref<100000xf32, #tpu.memory_space<hbm>>) target(%arg5 : memref<100000xf32, #tpu.memory_space<vmem>>) target_semaphore(%run_scoped3A : memref<!tpu.dma_semaphore, #tpu.memory_space<semaphore_mem>>)
        %dma_wait3A_102 = arith.constant 0 : i32
        %dma_wait3A_103 = tpu.memref_slice %arg2[%while3A_15, %dma_wait3A_102] : memref<416x100000xf32, #tpu.memory_space<hbm>> -> memref<1x100000xf32, #tpu.memory_space<hbm>>
        %dma_wait3A_104 = tpu.memref_squeeze %dma_wait3A_103 : memref<1x100000xf32, #tpu.memory_space<hbm>> -> memref<100000xf32, #tpu.memory_space<hbm>>
        %dma_wait3A_105 = arith.constant 0 : i32
        %dma_wait3A_106 = tpu.memref_slice %arg2[%while3A_15, %dma_wait3A_105] : memref<416x100000xf32, #tpu.memory_space<hbm>> -> memref<1x100000xf32, #tpu.memory_space<hbm>>
        %dma_wait3A_107 = tpu.memref_squeeze %dma_wait3A_106 : memref<1x100000xf32, #tpu.memory_space<hbm>> -> memref<100000xf32, #tpu.memory_space<hbm>>
        tpu.wait_dma2 semaphore(%run_scoped3A : memref<!tpu.dma_semaphore, #tpu.memory_space<semaphore_mem>>) src(%dma_wait3A_107 : memref<100000xf32, #tpu.memory_space<hbm>>) dst(%arg5 : memref<100000xf32, #tpu.memory_space<vmem>>)
        tpu.yield
      }) : () -> ()
      %parallel_loop3A = arith.constant 0 : i32
      %parallel_loop3A_38 = arith.constant 4096 : i32
      %parallel_loop3A_39 = arith.constant 16 : i32
      scf.for %parallel_loop3A_96 = %parallel_loop3A to %parallel_loop3A_38 step %parallel_loop3A_39  : i32 {
        %parallel_loop3A_97 = arith.constant 0 : i32
        %parallel_loop3A_98 = arith.addi %parallel_loop3A_97, %parallel_loop3A_96 : i32
        %parallel_loop3A_99 = arith.index_cast %parallel_loop3A_98 : i32 to index
        %parallel_loop3A_100 = tpu.vector_load %arg6[%parallel_loop3A_99] {strides = array<i32>} : memref<16384xi32, #tpu.memory_space<vmem>>, vector<16xi32>,
        %parallel_loop3A_101 = tpu.vector_load_idx %arg5[%parallel_loop3A_100] : memref<100000xf32, #tpu.memory_space<vmem>>[vector<16xi32>], vector<16xf32>,
        %parallel_loop3A_102 = arith.index_cast %parallel_loop3A_96 : i32 to index
        %parallel_loop3A_103 = tpu.vector_load %arg7[%parallel_loop3A_102] {strides = array<i32>} : memref<4096xf32, #tpu.memory_space<vmem>>, vector<16xf32>,
        tpu.vector_store %arg7[%parallel_loop3A_102], %parallel_loop3A_101 {strides = array<i32>} : memref<4096xf32, #tpu.memory_space<vmem>>, vector<16xf32>,
      } {sc.loop_unroll_factor = 16 : i64, sc.parallel_access}
      %dma_start3A = arith.constant 0 : i32
      %dma_start3A_40 = tpu.memref_slice %arg4[%while3A_15, %dma_start3A] : memref<416x16384xf32, #tpu.memory_space<hbm>> -> memref<1x4096xf32, #tpu.memory_space<hbm>>
      %dma_start3A_41 = tpu.memref_squeeze %dma_start3A_40 : memref<1x4096xf32, #tpu.memory_space<hbm>> -> memref<4096xf32, #tpu.memory_space<hbm>>
      %dma_start3A_42 = arith.constant 0 : i32
      %dma_start3A_43 = tpu.memref_slice %arg4[%while3A_15, %dma_start3A_42] : memref<416x16384xf32, #tpu.memory_space<hbm>> -> memref<1x4096xf32, #tpu.memory_space<hbm>>
      %dma_start3A_44 = tpu.memref_squeeze %dma_start3A_43 : memref<1x4096xf32, #tpu.memory_space<hbm>> -> memref<4096xf32, #tpu.memory_space<hbm>>
      tpu.enqueue_dma source(%arg7 : memref<4096xf32, #tpu.memory_space<vmem>>) target(%dma_start3A_44 : memref<4096xf32, #tpu.memory_space<hbm>>) target_semaphore(%arg9 : memref<!tpu.dma_semaphore, #tpu.memory_space<semaphore_mem>>)
      %parallel_loop3A_45 = arith.constant 0 : i32
      %parallel_loop3A_46 = arith.constant 4096 : i32
      %parallel_loop3A_47 = arith.constant 16 : i32
      scf.for %parallel_loop3A_96 = %parallel_loop3A_45 to %parallel_loop3A_46 step %parallel_loop3A_47  : i32 {
        %parallel_loop3A_97 = arith.constant 4096 : i32
        %parallel_loop3A_98 = arith.addi %parallel_loop3A_97, %parallel_loop3A_96 : i32
        %parallel_loop3A_99 = arith.index_cast %parallel_loop3A_98 : i32 to index
        %parallel_loop3A_100 = tpu.vector_load %arg6[%parallel_loop3A_99] {strides = array<i32>} : memref<16384xi32, #tpu.memory_space<vmem>>, vector<16xi32>,
        %parallel_loop3A_101 = tpu.vector_load_idx %arg5[%parallel_loop3A_100] : memref<100000xf32, #tpu.memory_space<vmem>>[vector<16xi32>], vector<16xf32>,
        %parallel_loop3A_102 = arith.index_cast %parallel_loop3A_96 : i32 to index
        %parallel_loop3A_103 = tpu.vector_load %arg8[%parallel_loop3A_102] {strides = array<i32>} : memref<4096xf32, #tpu.memory_space<vmem>>, vector<16xf32>,
        tpu.vector_store %arg8[%parallel_loop3A_102], %parallel_loop3A_101 {strides = array<i32>} : memref<4096xf32, #tpu.memory_space<vmem>>, vector<16xf32>,
      } {sc.loop_unroll_factor = 16 : i64, sc.parallel_access}
      %dma_start3A_48 = arith.constant 4096 : i32
      %dma_start3A_49 = tpu.memref_slice %arg4[%while3A_15, %dma_start3A_48] : memref<416x16384xf32, #tpu.memory_space<hbm>> -> memref<1x4096xf32, #tpu.memory_space<hbm>>
      %dma_start3A_50 = tpu.memref_squeeze %dma_start3A_49 : memref<1x4096xf32, #tpu.memory_space<hbm>> -> memref<4096xf32, #tpu.memory_space<hbm>>
      %dma_start3A_51 = arith.constant 4096 : i32
      %dma_start3A_52 = tpu.memref_slice %arg4[%while3A_15, %dma_start3A_51] : memref<416x16384xf32, #tpu.memory_space<hbm>> -> memref<1x4096xf32, #tpu.memory_space<hbm>>
      %dma_start3A_53 = tpu.memref_squeeze %dma_start3A_52 : memref<1x4096xf32, #tpu.memory_space<hbm>> -> memref<4096xf32, #tpu.memory_space<hbm>>
      tpu.enqueue_dma source(%arg8 : memref<4096xf32, #tpu.memory_space<vmem>>) target(%dma_start3A_53 : memref<4096xf32, #tpu.memory_space<hbm>>) target_semaphore(%arg10 : memref<!tpu.dma_semaphore, #tpu.memory_space<semaphore_mem>>)
      %dma_wait3A = arith.constant 0 : i32
      %dma_wait3A_54 = tpu.memref_slice %arg4[%while3A_15, %dma_wait3A] : memref<416x16384xf32, #tpu.memory_space<hbm>> -> memref<1x4096xf32, #tpu.memory_space<hbm>>
      %dma_wait3A_55 = tpu.memref_squeeze %dma_wait3A_54 : memref<1x4096xf32, #tpu.memory_space<hbm>> -> memref<4096xf32, #tpu.memory_space<hbm>>
      %dma_wait3A_56 = arith.constant 0 : i32
      %dma_wait3A_57 = tpu.memref_slice %arg4[%while3A_15, %dma_wait3A_56] : memref<416x16384xf32, #tpu.memory_space<hbm>> -> memref<1x4096xf32, #tpu.memory_space<hbm>>
      %dma_wait3A_58 = tpu.memref_squeeze %dma_wait3A_57 : memref<1x4096xf32, #tpu.memory_space<hbm>> -> memref<4096xf32, #tpu.memory_space<hbm>>
      tpu.wait_dma2 semaphore(%arg9 : memref<!tpu.dma_semaphore, #tpu.memory_space<semaphore_mem>>) src(%arg7 : memref<4096xf32, #tpu.memory_space<vmem>>) dst(%dma_wait3A_58 : memref<4096xf32, #tpu.memory_space<hbm>>)
      %parallel_loop3A_59 = arith.constant 0 : i32
      %parallel_loop3A_60 = arith.constant 4096 : i32
      %parallel_loop3A_61 = arith.constant 16 : i32
      scf.for %parallel_loop3A_96 = %parallel_loop3A_59 to %parallel_loop3A_60 step %parallel_loop3A_61  : i32 {
        %parallel_loop3A_97 = arith.constant 8192 : i32
        %parallel_loop3A_98 = arith.addi %parallel_loop3A_97, %parallel_loop3A_96 : i32
        %parallel_loop3A_99 = arith.index_cast %parallel_loop3A_98 : i32 to index
        %parallel_loop3A_100 = tpu.vector_load %arg6[%parallel_loop3A_99] {strides = array<i32>} : memref<16384xi32, #tpu.memory_space<vmem>>, vector<16xi32>,
        %parallel_loop3A_101 = tpu.vector_load_idx %arg5[%parallel_loop3A_100] : memref<100000xf32, #tpu.memory_space<vmem>>[vector<16xi32>], vector<16xf32>,
        %parallel_loop3A_102 = arith.index_cast %parallel_loop3A_96 : i32 to index
        %parallel_loop3A_103 = tpu.vector_load %arg7[%parallel_loop3A_102] {strides = array<i32>} : memref<4096xf32, #tpu.memory_space<vmem>>, vector<16xf32>,
        tpu.vector_store %arg7[%parallel_loop3A_102], %parallel_loop3A_101 {strides = array<i32>} : memref<4096xf32, #tpu.memory_space<vmem>>, vector<16xf32>,
      } {sc.loop_unroll_factor = 16 : i64, sc.parallel_access}
      %dma_start3A_62 = arith.constant 8192 : i32
      %dma_start3A_63 = tpu.memref_slice %arg4[%while3A_15, %dma_start3A_62] : memref<416x16384xf32, #tpu.memory_space<hbm>> -> memref<1x4096xf32, #tpu.memory_space<hbm>>
      %dma_start3A_64 = tpu.memref_squeeze %dma_start3A_63 : memref<1x4096xf32, #tpu.memory_space<hbm>> -> memref<4096xf32, #tpu.memory_space<hbm>>
      %dma_start3A_65 = arith.constant 8192 : i32
      %dma_start3A_66 = tpu.memref_slice %arg4[%while3A_15, %dma_start3A_65] : memref<416x16384xf32, #tpu.memory_space<hbm>> -> memref<1x4096xf32, #tpu.memory_space<hbm>>
      %dma_start3A_67 = tpu.memref_squeeze %dma_start3A_66 : memref<1x4096xf32, #tpu.memory_space<hbm>> -> memref<4096xf32, #tpu.memory_space<hbm>>
      tpu.enqueue_dma source(%arg7 : memref<4096xf32, #tpu.memory_space<vmem>>) target(%dma_start3A_67 : memref<4096xf32, #tpu.memory_space<hbm>>) target_semaphore(%arg9 : memref<!tpu.dma_semaphore, #tpu.memory_space<semaphore_mem>>)
      %dma_wait3A_68 = arith.constant 0 : i32
      %dma_wait3A_69 = tpu.memref_slice %arg4[%while3A_15, %dma_wait3A_68] : memref<416x16384xf32, #tpu.memory_space<hbm>> -> memref<1x4096xf32, #tpu.memory_space<hbm>>
      %dma_wait3A_70 = tpu.memref_squeeze %dma_wait3A_69 : memref<1x4096xf32, #tpu.memory_space<hbm>> -> memref<4096xf32, #tpu.memory_space<hbm>>
      %dma_wait3A_71 = arith.constant 0 : i32
      %dma_wait3A_72 = tpu.memref_slice %arg4[%while3A_15, %dma_wait3A_71] : memref<416x16384xf32, #tpu.memory_space<hbm>> -> memref<1x4096xf32, #tpu.memory_space<hbm>>
      %dma_wait3A_73 = tpu.memref_squeeze %dma_wait3A_72 : memref<1x4096xf32, #tpu.memory_space<hbm>> -> memref<4096xf32, #tpu.memory_space<hbm>>
      tpu.wait_dma2 semaphore(%arg10 : memref<!tpu.dma_semaphore, #tpu.memory_space<semaphore_mem>>) src(%arg8 : memref<4096xf32, #tpu.memory_space<vmem>>) dst(%dma_wait3A_73 : memref<4096xf32, #tpu.memory_space<hbm>>)
      %parallel_loop3A_74 = arith.constant 0 : i32
      %parallel_loop3A_75 = arith.constant 4096 : i32
      %parallel_loop3A_76 = arith.constant 16 : i32
      scf.for %parallel_loop3A_96 = %parallel_loop3A_74 to %parallel_loop3A_75 step %parallel_loop3A_76  : i32 {
        %parallel_loop3A_97 = arith.constant 12288 : i32
        %parallel_loop3A_98 = arith.addi %parallel_loop3A_97, %parallel_loop3A_96 : i32
        %parallel_loop3A_99 = arith.index_cast %parallel_loop3A_98 : i32 to index
        %parallel_loop3A_100 = tpu.vector_load %arg6[%parallel_loop3A_99] {strides = array<i32>} : memref<16384xi32, #tpu.memory_space<vmem>>, vector<16xi32>,
        %parallel_loop3A_101 = tpu.vector_load_idx %arg5[%parallel_loop3A_100] : memref<100000xf32, #tpu.memory_space<vmem>>[vector<16xi32>], vector<16xf32>,
        %parallel_loop3A_102 = arith.index_cast %parallel_loop3A_96 : i32 to index
        %parallel_loop3A_103 = tpu.vector_load %arg8[%parallel_loop3A_102] {strides = array<i32>} : memref<4096xf32, #tpu.memory_space<vmem>>, vector<16xf32>,
        tpu.vector_store %arg8[%parallel_loop3A_102], %parallel_loop3A_101 {strides = array<i32>} : memref<4096xf32, #tpu.memory_space<vmem>>, vector<16xf32>,
      } {sc.loop_unroll_factor = 16 : i64, sc.parallel_access}
      %dma_start3A_77 = arith.constant 12288 : i32
      %dma_start3A_78 = tpu.memref_slice %arg4[%while3A_15, %dma_start3A_77] : memref<416x16384xf32, #tpu.memory_space<hbm>> -> memref<1x4096xf32, #tpu.memory_space<hbm>>
      %dma_start3A_79 = tpu.memref_squeeze %dma_start3A_78 : memref<1x4096xf32, #tpu.memory_space<hbm>> -> memref<4096xf32, #tpu.memory_space<hbm>>
      %dma_start3A_80 = arith.constant 12288 : i32
      %dma_start3A_81 = tpu.memref_slice %arg4[%while3A_15, %dma_start3A_80] : memref<416x16384xf32, #tpu.memory_space<hbm>> -> memref<1x4096xf32, #tpu.memory_space<hbm>>
      %dma_start3A_82 = tpu.memref_squeeze %dma_start3A_81 : memref<1x4096xf32, #tpu.memory_space<hbm>> -> memref<4096xf32, #tpu.memory_space<hbm>>
      tpu.enqueue_dma source(%arg8 : memref<4096xf32, #tpu.memory_space<vmem>>) target(%dma_start3A_82 : memref<4096xf32, #tpu.memory_space<hbm>>) target_semaphore(%arg10 : memref<!tpu.dma_semaphore, #tpu.memory_space<semaphore_mem>>)
      %dma_wait3A_83 = arith.constant 0 : i32
      %dma_wait3A_84 = tpu.memref_slice %arg4[%while3A_15, %dma_wait3A_83] : memref<416x16384xf32, #tpu.memory_space<hbm>> -> memref<1x4096xf32, #tpu.memory_space<hbm>>
      %dma_wait3A_85 = tpu.memref_squeeze %dma_wait3A_84 : memref<1x4096xf32, #tpu.memory_space<hbm>> -> memref<4096xf32, #tpu.memory_space<hbm>>
      %dma_wait3A_86 = arith.constant 0 : i32
      %dma_wait3A_87 = tpu.memref_slice %arg4[%while3A_15, %dma_wait3A_86] : memref<416x16384xf32, #tpu.memory_space<hbm>> -> memref<1x4096xf32, #tpu.memory_space<hbm>>
      %dma_wait3A_88 = tpu.memref_squeeze %dma_wait3A_87 : memref<1x4096xf32, #tpu.memory_space<hbm>> -> memref<4096xf32, #tpu.memory_space<hbm>>
      tpu.wait_dma2 semaphore(%arg9 : memref<!tpu.dma_semaphore, #tpu.memory_space<semaphore_mem>>) src(%arg7 : memref<4096xf32, #tpu.memory_space<vmem>>) dst(%dma_wait3A_88 : memref<4096xf32, #tpu.memory_space<hbm>>)
      %dma_wait3A_89 = arith.constant 0 : i32
      %dma_wait3A_90 = tpu.memref_slice %arg4[%while3A_15, %dma_wait3A_89] : memref<416x16384xf32, #tpu.memory_space<hbm>> -> memref<1x4096xf32, #tpu.memory_space<hbm>>
      %dma_wait3A_91 = tpu.memref_squeeze %dma_wait3A_90 : memref<1x4096xf32, #tpu.memory_space<hbm>> -> memref<4096xf32, #tpu.memory_space<hbm>>
      %dma_wait3A_92 = arith.constant 0 : i32
      %dma_wait3A_93 = tpu.memref_slice %arg4[%while3A_15, %dma_wait3A_92] : memref<416x16384xf32, #tpu.memory_space<hbm>> -> memref<1x4096xf32, #tpu.memory_space<hbm>>
      %dma_wait3A_94 = tpu.memref_squeeze %dma_wait3A_93 : memref<1x4096xf32, #tpu.memory_space<hbm>> -> memref<4096xf32, #tpu.memory_space<hbm>>
      tpu.wait_dma2 semaphore(%arg10 : memref<!tpu.dma_semaphore, #tpu.memory_space<semaphore_mem>>) src(%arg8 : memref<4096xf32, #tpu.memory_space<vmem>>) dst(%dma_wait3A_94 : memref<4096xf32, #tpu.memory_space<hbm>>)
      %while3A_95 = arith.constant 0 : i32
      scf.yield %while3A_95 : i32
    }
    %while3A_13 = arith.constant 1 : i32
    %while3A_14 = scf.for %while3A_15 = %while3A_10 to %while3A_6 step %while3A_13 iter_args(%while3A_16 = %while3A_12) -> (i32)  : i32 {
      %jit3A = arith.constant 16 : i32
      %div3A = arith.divsi %while3A_15, %jit3A : i32
      %sign3A = arith.constant 0 : i32
      %sign3A_17 = arith.cmpi sgt, %while3A_15, %sign3A : i32
      %sign3A_18 = arith.extui %sign3A_17 : i1 to i32
      %sign3A_19 = arith.constant 0 : i32
      %sign3A_20 = arith.cmpi slt, %while3A_15, %sign3A_19 : i32
      %sign3A_21 = arith.extui %sign3A_20 : i1 to i32
      %sign3A_22 = arith.subi %sign3A_18, %sign3A_21 : i32
      %sign3A_23 = arith.constant 0 : i32
      %sign3A_24 = arith.cmpi sgt, %jit3A, %sign3A_23 : i32
      %sign3A_25 = arith.extui %sign3A_24 : i1 to i32
      %sign3A_26 = arith.constant 0 : i32
      %sign3A_27 = arith.cmpi slt, %jit3A, %sign3A_26 : i32
      %sign3A_28 = arith.extui %sign3A_27 : i1 to i32
      %sign3A_29 = arith.subi %sign3A_25, %sign3A_28 : i32
      %ne3A = arith.cmpi ne, %sign3A_22, %sign3A_29 : i32
      %rem3A = arith.remsi %while3A_15, %jit3A : i32
      %ne3A_30 = arith.constant 0 : i32
      %ne3A_31 = arith.cmpi ne, %rem3A, %ne3A_30 : i32
      %and3A = arith.andi %ne3A, %ne3A_31 : i1
      %sub3A = arith.constant 1 : i32
      %sub3A_32 = arith.subi %div3A, %sub3A : i32
      %select_n3A = arith.select %and3A, %sub3A_32, %div3A : i32
      %eq3A = arith.cmpi eq, %while3A_15, %mul3A_2 : i32
      %rem3A_33 = arith.constant 16 : i32
      %rem3A_34 = arith.remsi %while3A_15, %rem3A_33 : i32
      %eq3A_35 = arith.constant 0 : i32
      %eq3A_36 = arith.cmpi eq, %rem3A_34, %eq3A_35 : i32
      %or3A = arith.ori %eq3A, %eq3A_36 : i1
      %convert_element_type3A = arith.extui %or3A : i1 to i32
      %cond3A = arith.constant 0 : i32
      %cond3A_37 = arith.cmpi ne, %convert_element_type3A, %cond3A : i32
      scf.if %cond3A_37 {
        "tpu.region"() ({
          %run_scoped3A = tpu.sem_alloc : memref<!tpu.dma_semaphore, #tpu.memory_space<semaphore_mem>>
          %dma_start3A_96 = arith.constant 0 : i32
          %dma_start3A_97 = tpu.memref_slice %arg3[%select_n3A, %dma_start3A_96] : memref<26x16384xi32, #tpu.memory_space<hbm>> -> memref<1x16384xi32, #tpu.memory_space<hbm>>
          %dma_start3A_98 = tpu.memref_squeeze %dma_start3A_97 : memref<1x16384xi32, #tpu.memory_space<hbm>> -> memref<16384xi32, #tpu.memory_space<hbm>>
          %dma_start3A_99 = arith.constant 0 : i32
          %dma_start3A_100 = tpu.memref_slice %arg3[%select_n3A, %dma_start3A_99] : memref<26x16384xi32, #tpu.memory_space<hbm>> -> memref<1x16384xi32, #tpu.memory_space<hbm>>
          %dma_start3A_101 = tpu.memref_squeeze %dma_start3A_100 : memref<1x16384xi32, #tpu.memory_space<hbm>> -> memref<16384xi32, #tpu.memory_space<hbm>>
          tpu.enqueue_dma source(%dma_start3A_101 : memref<16384xi32, #tpu.memory_space<hbm>>) target(%arg6 : memref<16384xi32, #tpu.memory_space<vmem>>) target_semaphore(%run_scoped3A : memref<!tpu.dma_semaphore, #tpu.memory_space<semaphore_mem>>)
          %dma_wait3A_102 = arith.constant 0 : i32
          %dma_wait3A_103 = tpu.memref_slice %arg3[%select_n3A, %dma_wait3A_102] : memref<26x16384xi32, #tpu.memory_space<hbm>> -> memref<1x16384xi32, #tpu.memory_space<hbm>>
          %dma_wait3A_104 = tpu.memref_squeeze %dma_wait3A_103 : memref<1x16384xi32, #tpu.memory_space<hbm>> -> memref<16384xi32, #tpu.memory_space<hbm>>
          %dma_wait3A_105 = arith.constant 0 : i32
          %dma_wait3A_106 = tpu.memref_slice %arg3[%select_n3A, %dma_wait3A_105] : memref<26x16384xi32, #tpu.memory_space<hbm>> -> memref<1x16384xi32, #tpu.memory_space<hbm>>
          %dma_wait3A_107 = tpu.memref_squeeze %dma_wait3A_106 : memref<1x16384xi32, #tpu.memory_space<hbm>> -> memref<16384xi32, #tpu.memory_space<hbm>>
          tpu.wait_dma2 semaphore(%run_scoped3A : memref<!tpu.dma_semaphore, #tpu.memory_space<semaphore_mem>>) src(%dma_wait3A_107 : memref<16384xi32, #tpu.memory_space<hbm>>) dst(%arg6 : memref<16384xi32, #tpu.memory_space<vmem>>)
          tpu.yield
        }) : () -> ()
      } else {
      }
      "tpu.region"() ({
        %run_scoped3A = tpu.sem_alloc : memref<!tpu.dma_semaphore, #tpu.memory_space<semaphore_mem>>
        %dma_start3A_96 = arith.constant 0 : i32
        %dma_start3A_97 = tpu.memref_slice %arg2[%while3A_15, %dma_start3A_96] : memref<416x100000xf32, #tpu.memory_space<hbm>> -> memref<1x100000xf32, #tpu.memory_space<hbm>>
        %dma_start3A_98 = tpu.memref_squeeze %dma_start3A_97 : memref<1x100000xf32, #tpu.memory_space<hbm>> -> memref<100000xf32, #tpu.memory_space<hbm>>
        %dma_start3A_99 = arith.constant 0 : i32
        %dma_start3A_100 = tpu.memref_slice %arg2[%while3A_15, %dma_start3A_99] : memref<416x100000xf32, #tpu.memory_space<hbm>> -> memref<1x100000xf32, #tpu.memory_space<hbm>>
        %dma_start3A_101 = tpu.memref_squeeze %dma_start3A_100 : memref<1x100000xf32, #tpu.memory_space<hbm>> -> memref<100000xf32, #tpu.memory_space<hbm>>
        tpu.enqueue_dma source(%dma_start3A_101 : memref<100000xf32, #tpu.memory_space<hbm>>) target(%arg5 : memref<100000xf32, #tpu.memory_space<vmem>>) target_semaphore(%run_scoped3A : memref<!tpu.dma_semaphore, #tpu.memory_space<semaphore_mem>>)
        %dma_wait3A_102 = arith.constant 0 : i32
        %dma_wait3A_103 = tpu.memref_slice %arg2[%while3A_15, %dma_wait3A_102] : memref<416x100000xf32, #tpu.memory_space<hbm>> -> memref<1x100000xf32, #tpu.memory_space<hbm>>
        %dma_wait3A_104 = tpu.memref_squeeze %dma_wait3A_103 : memref<1x100000xf32, #tpu.memory_space<hbm>> -> memref<100000xf32, #tpu.memory_space<hbm>>
        %dma_wait3A_105 = arith.constant 0 : i32
        %dma_wait3A_106 = tpu.memref_slice %arg2[%while3A_15, %dma_wait3A_105] : memref<416x100000xf32, #tpu.memory_space<hbm>> -> memref<1x100000xf32, #tpu.memory_space<hbm>>
        %dma_wait3A_107 = tpu.memref_squeeze %dma_wait3A_106 : memref<1x100000xf32, #tpu.memory_space<hbm>> -> memref<100000xf32, #tpu.memory_space<hbm>>
        tpu.wait_dma2 semaphore(%run_scoped3A : memref<!tpu.dma_semaphore, #tpu.memory_space<semaphore_mem>>) src(%dma_wait3A_107 : memref<100000xf32, #tpu.memory_space<hbm>>) dst(%arg5 : memref<100000xf32, #tpu.memory_space<vmem>>)
        tpu.yield
      }) : () -> ()
      %parallel_loop3A = arith.constant 0 : i32
      %parallel_loop3A_38 = arith.constant 4096 : i32
      %parallel_loop3A_39 = arith.constant 16 : i32
      scf.for %parallel_loop3A_96 = %parallel_loop3A to %parallel_loop3A_38 step %parallel_loop3A_39  : i32 {
        %parallel_loop3A_97 = arith.constant 0 : i32
        %parallel_loop3A_98 = arith.addi %parallel_loop3A_97, %parallel_loop3A_96 : i32
        %parallel_loop3A_99 = arith.index_cast %parallel_loop3A_98 : i32 to index
        %parallel_loop3A_100 = tpu.vector_load %arg6[%parallel_loop3A_99] {strides = array<i32>} : memref<16384xi32, #tpu.memory_space<vmem>>, vector<16xi32>,
        %parallel_loop3A_101 = tpu.vector_load_idx %arg5[%parallel_loop3A_100] : memref<100000xf32, #tpu.memory_space<vmem>>[vector<16xi32>], vector<16xf32>,
        %parallel_loop3A_102 = arith.index_cast %parallel_loop3A_96 : i32 to index
        %parallel_loop3A_103 = tpu.vector_load %arg7[%parallel_loop3A_102] {strides = array<i32>} : memref<4096xf32, #tpu.memory_space<vmem>>, vector<16xf32>,
        tpu.vector_store %arg7[%parallel_loop3A_102], %parallel_loop3A_101 {strides = array<i32>} : memref<4096xf32, #tpu.memory_space<vmem>>, vector<16xf32>,
      } {sc.loop_unroll_factor = 16 : i64, sc.parallel_access}
      %dma_start3A = arith.constant 0 : i32
      %dma_start3A_40 = tpu.memref_slice %arg4[%while3A_15, %dma_start3A] : memref<416x16384xf32, #tpu.memory_space<hbm>> -> memref<1x4096xf32, #tpu.memory_space<hbm>>
      %dma_start3A_41 = tpu.memref_squeeze %dma_start3A_40 : memref<1x4096xf32, #tpu.memory_space<hbm>> -> memref<4096xf32, #tpu.memory_space<hbm>>
      %dma_start3A_42 = arith.constant 0 : i32
      %dma_start3A_43 = tpu.memref_slice %arg4[%while3A_15, %dma_start3A_42] : memref<416x16384xf32, #tpu.memory_space<hbm>> -> memref<1x4096xf32, #tpu.memory_space<hbm>>
      %dma_start3A_44 = tpu.memref_squeeze %dma_start3A_43 : memref<1x4096xf32, #tpu.memory_space<hbm>> -> memref<4096xf32, #tpu.memory_space<hbm>>
      tpu.enqueue_dma source(%arg7 : memref<4096xf32, #tpu.memory_space<vmem>>) target(%dma_start3A_44 : memref<4096xf32, #tpu.memory_space<hbm>>) target_semaphore(%arg9 : memref<!tpu.dma_semaphore, #tpu.memory_space<semaphore_mem>>)
      %parallel_loop3A_45 = arith.constant 0 : i32
      %parallel_loop3A_46 = arith.constant 4096 : i32
      %parallel_loop3A_47 = arith.constant 16 : i32
      scf.for %parallel_loop3A_96 = %parallel_loop3A_45 to %parallel_loop3A_46 step %parallel_loop3A_47  : i32 {
        %parallel_loop3A_97 = arith.constant 4096 : i32
        %parallel_loop3A_98 = arith.addi %parallel_loop3A_97, %parallel_loop3A_96 : i32
        %parallel_loop3A_99 = arith.index_cast %parallel_loop3A_98 : i32 to index
        %parallel_loop3A_100 = tpu.vector_load %arg6[%parallel_loop3A_99] {strides = array<i32>} : memref<16384xi32, #tpu.memory_space<vmem>>, vector<16xi32>,
        %parallel_loop3A_101 = tpu.vector_load_idx %arg5[%parallel_loop3A_100] : memref<100000xf32, #tpu.memory_space<vmem>>[vector<16xi32>], vector<16xf32>,
        %parallel_loop3A_102 = arith.index_cast %parallel_loop3A_96 : i32 to index
        %parallel_loop3A_103 = tpu.vector_load %arg8[%parallel_loop3A_102] {strides = array<i32>} : memref<4096xf32, #tpu.memory_space<vmem>>, vector<16xf32>,
        tpu.vector_store %arg8[%parallel_loop3A_102], %parallel_loop3A_101 {strides = array<i32>} : memref<4096xf32, #tpu.memory_space<vmem>>, vector<16xf32>,
      } {sc.loop_unroll_factor = 16 : i64, sc.parallel_access}
      %dma_start3A_48 = arith.constant 4096 : i32
      %dma_start3A_49 = tpu.memref_slice %arg4[%while3A_15, %dma_start3A_48] : memref<416x16384xf32, #tpu.memory_space<hbm>> -> memref<1x4096xf32, #tpu.memory_space<hbm>>
      %dma_start3A_50 = tpu.memref_squeeze %dma_start3A_49 : memref<1x4096xf32, #tpu.memory_space<hbm>> -> memref<4096xf32, #tpu.memory_space<hbm>>
      %dma_start3A_51 = arith.constant 4096 : i32
      %dma_start3A_52 = tpu.memref_slice %arg4[%while3A_15, %dma_start3A_51] : memref<416x16384xf32, #tpu.memory_space<hbm>> -> memref<1x4096xf32, #tpu.memory_space<hbm>>
      %dma_start3A_53 = tpu.memref_squeeze %dma_start3A_52 : memref<1x4096xf32, #tpu.memory_space<hbm>> -> memref<4096xf32, #tpu.memory_space<hbm>>
      tpu.enqueue_dma source(%arg8 : memref<4096xf32, #tpu.memory_space<vmem>>) target(%dma_start3A_53 : memref<4096xf32, #tpu.memory_space<hbm>>) target_semaphore(%arg10 : memref<!tpu.dma_semaphore, #tpu.memory_space<semaphore_mem>>)
      %dma_wait3A = arith.constant 0 : i32
      %dma_wait3A_54 = tpu.memref_slice %arg4[%while3A_15, %dma_wait3A] : memref<416x16384xf32, #tpu.memory_space<hbm>> -> memref<1x4096xf32, #tpu.memory_space<hbm>>
      %dma_wait3A_55 = tpu.memref_squeeze %dma_wait3A_54 : memref<1x4096xf32, #tpu.memory_space<hbm>> -> memref<4096xf32, #tpu.memory_space<hbm>>
      %dma_wait3A_56 = arith.constant 0 : i32
      %dma_wait3A_57 = tpu.memref_slice %arg4[%while3A_15, %dma_wait3A_56] : memref<416x16384xf32, #tpu.memory_space<hbm>> -> memref<1x4096xf32, #tpu.memory_space<hbm>>
      %dma_wait3A_58 = tpu.memref_squeeze %dma_wait3A_57 : memref<1x4096xf32, #tpu.memory_space<hbm>> -> memref<4096xf32, #tpu.memory_space<hbm>>
      tpu.wait_dma2 semaphore(%arg9 : memref<!tpu.dma_semaphore, #tpu.memory_space<semaphore_mem>>) src(%arg7 : memref<4096xf32, #tpu.memory_space<vmem>>) dst(%dma_wait3A_58 : memref<4096xf32, #tpu.memory_space<hbm>>)
      %parallel_loop3A_59 = arith.constant 0 : i32
      %parallel_loop3A_60 = arith.constant 4096 : i32
      %parallel_loop3A_61 = arith.constant 16 : i32
      scf.for %parallel_loop3A_96 = %parallel_loop3A_59 to %parallel_loop3A_60 step %parallel_loop3A_61  : i32 {
        %parallel_loop3A_97 = arith.constant 8192 : i32
        %parallel_loop3A_98 = arith.addi %parallel_loop3A_97, %parallel_loop3A_96 : i32
        %parallel_loop3A_99 = arith.index_cast %parallel_loop3A_98 : i32 to index
        %parallel_loop3A_100 = tpu.vector_load %arg6[%parallel_loop3A_99] {strides = array<i32>} : memref<16384xi32, #tpu.memory_space<vmem>>, vector<16xi32>,
        %parallel_loop3A_101 = tpu.vector_load_idx %arg5[%parallel_loop3A_100] : memref<100000xf32, #tpu.memory_space<vmem>>[vector<16xi32>], vector<16xf32>,
        %parallel_loop3A_102 = arith.index_cast %parallel_loop3A_96 : i32 to index
        %parallel_loop3A_103 = tpu.vector_load %arg7[%parallel_loop3A_102] {strides = array<i32>} : memref<4096xf32, #tpu.memory_space<vmem>>, vector<16xf32>,
        tpu.vector_store %arg7[%parallel_loop3A_102], %parallel_loop3A_101 {strides = array<i32>} : memref<4096xf32, #tpu.memory_space<vmem>>, vector<16xf32>,
      } {sc.loop_unroll_factor = 16 : i64, sc.parallel_access}
      %dma_start3A_62 = arith.constant 8192 : i32
      %dma_start3A_63 = tpu.memref_slice %arg4[%while3A_15, %dma_start3A_62] : memref<416x16384xf32, #tpu.memory_space<hbm>> -> memref<1x4096xf32, #tpu.memory_space<hbm>>
      %dma_start3A_64 = tpu.memref_squeeze %dma_start3A_63 : memref<1x4096xf32, #tpu.memory_space<hbm>> -> memref<4096xf32, #tpu.memory_space<hbm>>
      %dma_start3A_65 = arith.constant 8192 : i32
      %dma_start3A_66 = tpu.memref_slice %arg4[%while3A_15, %dma_start3A_65] : memref<416x16384xf32, #tpu.memory_space<hbm>> -> memref<1x4096xf32, #tpu.memory_space<hbm>>
      %dma_start3A_67 = tpu.memref_squeeze %dma_start3A_66 : memref<1x4096xf32, #tpu.memory_space<hbm>> -> memref<4096xf32, #tpu.memory_space<hbm>>
      tpu.enqueue_dma source(%arg7 : memref<4096xf32, #tpu.memory_space<vmem>>) target(%dma_start3A_67 : memref<4096xf32, #tpu.memory_space<hbm>>) target_semaphore(%arg9 : memref<!tpu.dma_semaphore, #tpu.memory_space<semaphore_mem>>)
      %dma_wait3A_68 = arith.constant 0 : i32
      %dma_wait3A_69 = tpu.memref_slice %arg4[%while3A_15, %dma_wait3A_68] : memref<416x16384xf32, #tpu.memory_space<hbm>> -> memref<1x4096xf32, #tpu.memory_space<hbm>>
      %dma_wait3A_70 = tpu.memref_squeeze %dma_wait3A_69 : memref<1x4096xf32, #tpu.memory_space<hbm>> -> memref<4096xf32, #tpu.memory_space<hbm>>
      %dma_wait3A_71 = arith.constant 0 : i32
      %dma_wait3A_72 = tpu.memref_slice %arg4[%while3A_15, %dma_wait3A_71] : memref<416x16384xf32, #tpu.memory_space<hbm>> -> memref<1x4096xf32, #tpu.memory_space<hbm>>
      %dma_wait3A_73 = tpu.memref_squeeze %dma_wait3A_72 : memref<1x4096xf32, #tpu.memory_space<hbm>> -> memref<4096xf32, #tpu.memory_space<hbm>>
      tpu.wait_dma2 semaphore(%arg10 : memref<!tpu.dma_semaphore, #tpu.memory_space<semaphore_mem>>) src(%arg8 : memref<4096xf32, #tpu.memory_space<vmem>>) dst(%dma_wait3A_73 : memref<4096xf32, #tpu.memory_space<hbm>>)
      %parallel_loop3A_74 = arith.constant 0 : i32
      %parallel_loop3A_75 = arith.constant 4096 : i32
      %parallel_loop3A_76 = arith.constant 16 : i32
      scf.for %parallel_loop3A_96 = %parallel_loop3A_74 to %parallel_loop3A_75 step %parallel_loop3A_76  : i32 {
        %parallel_loop3A_97 = arith.constant 12288 : i32
        %parallel_loop3A_98 = arith.addi %parallel_loop3A_97, %parallel_loop3A_96 : i32
        %parallel_loop3A_99 = arith.index_cast %parallel_loop3A_98 : i32 to index
        %parallel_loop3A_100 = tpu.vector_load %arg6[%parallel_loop3A_99] {strides = array<i32>} : memref<16384xi32, #tpu.memory_space<vmem>>, vector<16xi32>,
        %parallel_loop3A_101 = tpu.vector_load_idx %arg5[%parallel_loop3A_100] : memref<100000xf32, #tpu.memory_space<vmem>>[vector<16xi32>], vector<16xf32>,
        %parallel_loop3A_102 = arith.index_cast %parallel_loop3A_96 : i32 to index
        %parallel_loop3A_103 = tpu.vector_load %arg8[%parallel_loop3A_102] {strides = array<i32>} : memref<4096xf32, #tpu.memory_space<vmem>>, vector<16xf32>,
        tpu.vector_store %arg8[%parallel_loop3A_102], %parallel_loop3A_101 {strides = array<i32>} : memref<4096xf32, #tpu.memory_space<vmem>>, vector<16xf32>,
      } {sc.loop_unroll_factor = 16 : i64, sc.parallel_access}
      %dma_start3A_77 = arith.constant 12288 : i32
      %dma_start3A_78 = tpu.memref_slice %arg4[%while3A_15, %dma_start3A_77] : memref<416x16384xf32, #tpu.memory_space<hbm>> -> memref<1x4096xf32, #tpu.memory_space<hbm>>
      %dma_start3A_79 = tpu.memref_squeeze %dma_start3A_78 : memref<1x4096xf32, #tpu.memory_space<hbm>> -> memref<4096xf32, #tpu.memory_space<hbm>>
      %dma_start3A_80 = arith.constant 12288 : i32
      %dma_start3A_81 = tpu.memref_slice %arg4[%while3A_15, %dma_start3A_80] : memref<416x16384xf32, #tpu.memory_space<hbm>> -> memref<1x4096xf32, #tpu.memory_space<hbm>>
      %dma_start3A_82 = tpu.memref_squeeze %dma_start3A_81 : memref<1x4096xf32, #tpu.memory_space<hbm>> -> memref<4096xf32, #tpu.memory_space<hbm>>
      tpu.enqueue_dma source(%arg8 : memref<4096xf32, #tpu.memory_space<vmem>>) target(%dma_start3A_82 : memref<4096xf32, #tpu.memory_space<hbm>>) target_semaphore(%arg10 : memref<!tpu.dma_semaphore, #tpu.memory_space<semaphore_mem>>)
      %dma_wait3A_83 = arith.constant 0 : i32
      %dma_wait3A_84 = tpu.memref_slice %arg4[%while3A_15, %dma_wait3A_83] : memref<416x16384xf32, #tpu.memory_space<hbm>> -> memref<1x4096xf32, #tpu.memory_space<hbm>>
      %dma_wait3A_85 = tpu.memref_squeeze %dma_wait3A_84 : memref<1x4096xf32, #tpu.memory_space<hbm>> -> memref<4096xf32, #tpu.memory_space<hbm>>
      %dma_wait3A_86 = arith.constant 0 : i32
      %dma_wait3A_87 = tpu.memref_slice %arg4[%while3A_15, %dma_wait3A_86] : memref<416x16384xf32, #tpu.memory_space<hbm>> -> memref<1x4096xf32, #tpu.memory_space<hbm>>
      %dma_wait3A_88 = tpu.memref_squeeze %dma_wait3A_87 : memref<1x4096xf32, #tpu.memory_space<hbm>> -> memref<4096xf32, #tpu.memory_space<hbm>>
      tpu.wait_dma2 semaphore(%arg9 : memref<!tpu.dma_semaphore, #tpu.memory_space<semaphore_mem>>) src(%arg7 : memref<4096xf32, #tpu.memory_space<vmem>>) dst(%dma_wait3A_88 : memref<4096xf32, #tpu.memory_space<hbm>>)
      %dma_wait3A_89 = arith.constant 0 : i32
      %dma_wait3A_90 = tpu.memref_slice %arg4[%while3A_15, %dma_wait3A_89] : memref<416x16384xf32, #tpu.memory_space<hbm>> -> memref<1x4096xf32, #tpu.memory_space<hbm>>
      %dma_wait3A_91 = tpu.memref_squeeze %dma_wait3A_90 : memref<1x4096xf32, #tpu.memory_space<hbm>> -> memref<4096xf32, #tpu.memory_space<hbm>>
      %dma_wait3A_92 = arith.constant 0 : i32
      %dma_wait3A_93 = tpu.memref_slice %arg4[%while3A_15, %dma_wait3A_92] : memref<416x16384xf32, #tpu.memory_space<hbm>> -> memref<1x4096xf32, #tpu.memory_space<hbm>>
      %dma_wait3A_94 = tpu.memref_squeeze %dma_wait3A_93 : memref<1x4096xf32, #tpu.memory_space<hbm>> -> memref<4096xf32, #tpu.memory_space<hbm>>
      tpu.wait_dma2 semaphore(%arg10 : memref<!tpu.dma_semaphore, #tpu.memory_space<semaphore_mem>>) src(%arg8 : memref<4096xf32, #tpu.memory_space<vmem>>) dst(%dma_wait3A_94 : memref<4096xf32, #tpu.memory_space<hbm>>)
      %while3A_95 = arith.constant 0 : i32
      scf.yield %while3A_95 : i32
    }
    return
  }
}

module attributes {stable_mosaic.version = 14 : i64} {
  func.func @_mlp_body(%arg0: i32, %arg1: memref<416x4096xf32, #tpu.memory_space<vmem>>, %arg2: memref<416x416xf32, #tpu.memory_space<vmem>>, %arg3: memref<416x1xf32, #tpu.memory_space<vmem>>, %arg4: memref<416x416xf32, #tpu.memory_space<vmem>>, %arg5: memref<416x1xf32, #tpu.memory_space<vmem>>, %arg6: memref<416x4096xf32, #tpu.memory_space<vmem>>) attributes {dimension_semantics = [#tpu.dimension_semantics<arbitrary>], iteration_bounds = array<i64: 4>, scalar_prefetch = 0 : i64, scratch_operands = 0 : i64, tpu.core_type = #tpu.core_type<tc>, window_params = [{transform_indices = @transform_0, window_bounds = array<i64: 416, 4096>}, {pipeline_mode = #tpu.pipeline_mode<synchronous>, transform_indices = @transform_1, window_bounds = array<i64: 416, 416>}, {pipeline_mode = #tpu.pipeline_mode<synchronous>, transform_indices = @transform_2, window_bounds = array<i64: 416, 1>}, {pipeline_mode = #tpu.pipeline_mode<synchronous>, transform_indices = @transform_3, window_bounds = array<i64: 416, 416>}, {pipeline_mode = #tpu.pipeline_mode<synchronous>, transform_indices = @transform_4, window_bounds = array<i64: 416, 1>}, {transform_indices = @transform_5, window_bounds = array<i64: 416, 4096>}]} {
    %get3A = arith.constant 0 : index
    %get3A_0 = arith.constant 0 : index
    %get3A_1 = vector.load %arg1[%get3A, %get3A_0] : memref<416x4096xf32, #tpu.memory_space<vmem>>, vector<416x4096xf32>
    %get3A_2 = arith.constant 0 : index
    %get3A_3 = arith.constant 0 : index
    %get3A_4 = vector.load %arg2[%get3A_2, %get3A_3] : memref<416x416xf32, #tpu.memory_space<vmem>>, vector<416x416xf32>
    %dot_general3A = arith.constant dense<0.000000e+00> : vector<416x4096xf32>
    %dot_general3A_5 = tpu.matmul %get3A_4, %get3A_1, %dot_general3A {dimension_numbers = #tpu.dot_dimension_numbers<[1], [0], [0], [1], [0, 0, 1, 1], [], []>, transpose_lhs_hint = false} : vector<416x416xf32>, vector<416x4096xf32>, vector<416x4096xf32> -> vector<416x4096xf32>
    %get3A_6 = arith.constant 0 : index
    %get3A_7 = arith.constant 0 : index
    %get3A_8 = vector.load %arg3[%get3A_6, %get3A_7] : memref<416x1xf32, #tpu.memory_space<vmem>>, vector<416x1xf32>
    %add3A = vector.broadcast %get3A_8 : vector<416x1xf32> to vector<416x4096xf32>
    %add3A_9 = arith.addf %dot_general3A_5, %add3A : vector<416x4096xf32>
    %logistic3A = arith.negf %add3A_9 : vector<416x4096xf32>
    %logistic3A_10 = math.exp %logistic3A : vector<416x4096xf32>
    %logistic3A_11 = arith.constant 1.000000e+00 : f32
    %logistic3A_12 = vector.broadcast %logistic3A_11 : f32 to vector<416x4096xf32>
    %logistic3A_13 = arith.addf %logistic3A_12, %logistic3A_10 : vector<416x4096xf32>
    %logistic3A_14 = arith.divf %logistic3A_12, %logistic3A_13 : vector<416x4096xf32>
    %mul3A = arith.mulf %add3A_9, %logistic3A_14 : vector<416x4096xf32>
    %get3A_15 = arith.constant 0 : index
    %get3A_16 = arith.constant 0 : index
    %get3A_17 = vector.load %arg4[%get3A_15, %get3A_16] : memref<416x416xf32, #tpu.memory_space<vmem>>, vector<416x416xf32>
    %dot_general3A_18 = arith.constant dense<0.000000e+00> : vector<416x4096xf32>
    %dot_general3A_19 = tpu.matmul %get3A_17, %mul3A, %dot_general3A_18 {dimension_numbers = #tpu.dot_dimension_numbers<[1], [0], [0], [1], [0, 0, 1, 1], [], []>, transpose_lhs_hint = false} : vector<416x416xf32>, vector<416x4096xf32>, vector<416x4096xf32> -> vector<416x4096xf32>
    %get3A_20 = arith.constant 0 : index
    %get3A_21 = arith.constant 0 : index
    %get3A_22 = vector.load %arg5[%get3A_20, %get3A_21] : memref<416x1xf32, #tpu.memory_space<vmem>>, vector<416x1xf32>
    %add3A_23 = vector.broadcast %get3A_22 : vector<416x1xf32> to vector<416x4096xf32>
    %add3A_24 = arith.addf %dot_general3A_19, %add3A_23 : vector<416x4096xf32>
    %swap3A = arith.constant 0 : index
    %swap3A_25 = arith.constant 0 : index
    %swap3A_26 = vector.load %arg6[%swap3A, %swap3A_25] : memref<416x4096xf32, #tpu.memory_space<vmem>>, vector<416x4096xf32>
    tpu.vector_store %arg6[%swap3A, %swap3A_25], %add3A_24 {strides = array<i32>} : memref<416x4096xf32, #tpu.memory_space<vmem>>, vector<416x4096xf32>,
    return
  }
  func.func @transform_0(%arg0: i32) -> (i32, i32) {
    %c0_i32 = arith.constant 0 : i32
    %c0_i32_0 = arith.constant 0 : i32
    return %c0_i32, %arg0 : i32, i32
  }
  func.func @transform_1(%arg0: i32) -> (i32, i32) {
    %c0_i32 = arith.constant 0 : i32
    %c0_i32_0 = arith.constant 0 : i32
    %c0_i32_1 = arith.constant 0 : i32
    return %c0_i32, %c0_i32_0 : i32, i32
  }
  func.func @transform_2(%arg0: i32) -> (i32, i32) {
    %c0_i32 = arith.constant 0 : i32
    %c0_i32_0 = arith.constant 0 : i32
    %c0_i32_1 = arith.constant 0 : i32
    return %c0_i32, %c0_i32_0 : i32, i32
  }
  func.func @transform_3(%arg0: i32) -> (i32, i32) {
    %c0_i32 = arith.constant 0 : i32
    %c0_i32_0 = arith.constant 0 : i32
    %c0_i32_1 = arith.constant 0 : i32
    return %c0_i32, %c0_i32_0 : i32, i32
  }
  func.func @transform_4(%arg0: i32) -> (i32, i32) {
    %c0_i32 = arith.constant 0 : i32
    %c0_i32_0 = arith.constant 0 : i32
    %c0_i32_1 = arith.constant 0 : i32
    return %c0_i32, %c0_i32_0 : i32, i32
  }
  func.func @transform_5(%arg0: i32) -> (i32, i32) {
    %c0_i32 = arith.constant 0 : i32
    %c0_i32_0 = arith.constant 0 : i32
    return %c0_i32, %arg0 : i32, i32
  }
}

</mosaic_0001>

<sc_bundles>
// kernel: kernel.4.cloned.1.call-start
scs
__scs_entry_jumppad:
0x0: {  	(pc) =	sbr.rel $0x88, $3  }
0x1: {  	(tag) =	ssettag $0x0;
	lr =	simm.s32 $0x1  }
0x2: {  	[smem:$0x3F9B] =	sst lr;
	_ =	strace $0xD0000000  }
0x3: {  	_ = 	snop  }
0x4: {  	_ = 	snop  }
0x5: {  	_ = 	snop  }
0x6: {  	_ = 	snop  }
0x7: {  	_ = 	snop  }
__scs_overlays_trampoline_lowered:
0x8: {  	[smem:$0x3FAA] =	sst s0  }
0x9: {  	[smem:$0x3FAB] =	sst s1  }
0xa: {  	[smem:$0x3FAC] =	sst s2  }
0xb: {  	[smem:$0x3FAD] =	sst s3  }
0xc: {  	[smem:$0x3FAE] =	sst s4  }
0xd: {  	[smem:$0x3FAF] =	sst s5  }
0xe: {  	[smem:$0x3FB0] =	sst s6  }
0xf: {  	[smem:$0x3FB1] =	sst s7  }
0x10: {  	[smem:$0x3FB2] =	sst s8  }
0x11: {  	[smem:$0x3FB3] =	sst s9;
	s0 =	simm.s32 @!p0 $0x0  }
0x12: {  	s1 =	sld [smem:$0x3F99];
	s0 =	simm.s32 @p0 $0x1  }
0x13: {  	[smem:$0x3FB4] =	sst s0;
	s0 =	simm.s32 @!p1 $0x0  }
0x14: {  	s2 =	sld [smem:$0x3F98];
	s0 =	simm.s32 @p1 $0x1  }
0x15: {  	[smem:$0x3FB5] =	sst s0;
	s0 =	simm.s32 @!p2 $0x0  }
0x16: {  	s3 =	sld [smem:$0x3FDB];
	s0 =	simm.s32 @p2 $0x1  }
0x17: {  	s4 =	simm.s32 $0x1BF5;
	[smem:$0x3FB7] =	sst s0  }
0x18: {  	s0 =	sld [smem:$0x3F9A];
	_ =	swait.ge [sflag:s4], $0x0  }
0x19: {  	s7 =	sld [smem:$0x3F9B]  }
0x1a: {  	s8 =	sadd.s32 $0xFFFFE003, lr  }
0x1b: {  	s9 =	sadd.s32 $0xFFFFFEF7, lr;
	s5 =	simm.s32 $0xFFFFFFFF;
	p2 =	slt.u32 s8, $0xFFFFF086  }
0x1c: {  	p1 =	slt.u32 s9, $0xF7A;
	s5 =	simm.s32 @!p2 $0x0  }
0x1d: {  	s5 =	simm.s32 @p1 $0x1;
	p0 =	seq.s32 s7, s2  }
0x1e: {  	s7 =	smul.u32 @!p0 $0xF7A, s2;
	p2 =	seq.s32 @!p0 s5, $0x0  }
0x1f: {  	s9 =	smul.u32 $0xF7A, s1;
	s8 =	simm.s32 @!p0 $0x1BF5;
	p2 =	por !p2, p0  }
0x20: {  	[sflag:s8] =	ssyncset.s32 @!p0 $0xFFFFF086;
	s6 =	sadd.s32 @!p0 s3, s7;
	s7 =	simm.s32 @!p0 $0x108  }
0x21: {  	s3 =	sadd.s32 s3, s9;
	s6 =	sadd.s32 @!p0 $0x88, s6;
	s7 =	simm.s32 @p2 $0x1082  }
0x22: {  	[simem:s7], [sflag:s8] =	dma.local @!p0 [hbm:s6], $0xF7A  }
0x23: {  	s9 =	sor.u32 $0xD0000000, s2;
	s6 =	simm.s32 $0x108;
	_ =	swait.ge @!p0 [sflag:s8], $0x0  }
0x24: {  	s3 =	sadd.s32 $0x88, s3;
	s6 =	simm.s32 @!p1 $0x1082;
	[sflag:s4] =	ssyncset.s32 $0xFFFFF086  }
0x25: {  	[simem:s6], [sflag:s4] =	dma.local [hbm:s3], $0xF7A  }
0x26: {  	[smem:$0x3F9B] =	sst s1;
	(tag) =	ssettag s2;
	_ =	strace s9  }
0x27: {  	s1 =	sld [smem:$0x3FAB]  }
0x28: {  	s2 =	sld [smem:$0x3FAC]  }
0x29: {  	s4 =	sld [smem:$0x3FAE]  }
0x2a: {  	p0 =	seq.s32 s5, $0x0;
	s5 =	sld [smem:$0x3FAF]  }
0x2b: {  	s6 =	sld [smem:$0x3FB0]  }
0x2c: {  	s7 =	sld [smem:$0x3FB1]  }
0x2d: {  	s3 =	simm.s32 $0x108;
	s8 =	sld [smem:$0x3FB2]  }
0x2e: {  	s3 =	simm.s32 @!p0 $0x1082;
	s9 =	sld [smem:$0x3FB3]  }
0x2f: {  	lr =	sadd.s32 s0, s3;
	s0 =	sld [smem:$0x3FAA]  }
0x30: {  	s3 =	sld [smem:$0x3FAD]  }
0x31: {  	[smem:$0x3FB6] =	sst s10  }
0x32: {  	s10 =	sld [smem:$0x3FB4];
	_ =	sdelay $0x3  }
0x33: {  	p0 =	seq.s32 s10, $0x1;
	s10 =	sld [smem:$0x3FB6];
	_ =	sdelay $0x3  }
0x34: {  	[smem:$0x3FB6] =	sst s10  }
0x35: {  	s10 =	sld [smem:$0x3FB5];
	_ =	sdelay $0x3  }
0x36: {  	p1 =	seq.s32 s10, $0x1;
	s10 =	sld [smem:$0x3FB6];
	_ =	sdelay $0x3  }
0x37: {  	[smem:$0x3FB6] =	sst s10  }
0x38: {  	s10 =	sld [smem:$0x3FB7]  }
0x39: {  	_ = 	snop;
	(pc) =	sbr.ind lr, $3  }
0x3a: {  	_ = 	snop  }
0x3b: {  	_ = 	snop  }
0x3c: {  	p2 =	seq.s32 s10, $0x1;
	s10 =	sld [smem:$0x3FB6]  }
0x3d: {  	_ =	shalt  }
0x3e: {  	_ =	shalt  }
0x3f: {  	_ =	shalt  }
0x40: {  	_ =	shalt  }
0x41: {  	_ =	shalt  }
0x42: {  	_ =	shalt  }
0x43: {  	_ =	shalt  }
0x44: {  	_ =	shalt  }
0x45: {  	_ =	shalt  }
0x46: {  	_ =	shalt  }
0x47: {  	_ =	shalt  }
0x48: {  	_ =	shalt  }
0x49: {  	_ =	shalt  }
0x4a: {  	_ =	shalt  }
0x4b: {  	_ =	shalt  }
0x4c: {  	_ =	shalt  }
0x4d: {  	_ =	shalt  }
0x4e: {  	_ =	shalt  }
0x4f: {  	_ =	shalt  }
0x50: {  	_ =	shalt  }
0x51: {  	_ =	shalt  }
0x52: {  	_ =	shalt  }
0x53: {  	_ =	shalt  }
0x54: {  	_ =	shalt  }
0x55: {  	_ =	shalt  }
0x56: {  	_ =	shalt  }
0x57: {  	_ =	shalt  }
0x58: {  	_ =	shalt  }
0x59: {  	_ =	shalt  }
0x5a: {  	_ =	shalt  }
0x5b: {  	_ =	shalt  }
0x5c: {  	_ =	shalt  }
0x5d: {  	_ =	shalt  }
0x5e: {  	_ =	shalt  }
0x5f: {  	_ =	shalt  }
0x60: {  	_ =	shalt  }
0x61: {  	_ =	shalt  }
0x62: {  	_ =	shalt  }
0x63: {  	_ =	shalt  }
0x64: {  	_ =	shalt  }
0x65: {  	_ =	shalt  }
0x66: {  	_ =	shalt  }
0x67: {  	_ =	shalt  }
0x68: {  	_ =	shalt  }
0x69: {  	_ =	shalt  }
0x6a: {  	_ =	shalt  }
0x6b: {  	_ =	shalt  }
0x6c: {  	_ =	shalt  }
0x6d: {  	_ =	shalt  }
0x6e: {  	_ =	shalt  }
0x6f: {  	_ =	shalt  }
0x70: {  	_ =	shalt  }
0x71: {  	_ =	shalt  }
0x72: {  	_ =	shalt  }
0x73: {  	_ =	shalt  }
0x74: {  	_ =	shalt  }
0x75: {  	_ =	shalt  }
0x76: {  	_ =	shalt  }
0x77: {  	_ =	shalt  }
0x78: {  	_ =	shalt  }
0x79: {  	_ =	shalt  }
0x7a: {  	_ =	shalt  }
0x7b: {  	_ =	shalt  }
0x7c: {  	_ =	shalt  }
0x7d: {  	_ =	shalt  }
0x7e: {  	_ =	shalt  }
0x7f: {  	_ =	shalt  }
0x80: {  	_ =	shalt  }
0x81: {  	_ =	shalt  }
0x82: {  	_ =	shalt  }
0x83: {  	_ =	shalt  }
0x84: {  	_ =	shalt  }
0x85: {  	_ =	shalt  }
0x86: {  	_ =	shalt  }
0x87: {  	_ =	shalt  }
.Lfunc_end0:
.L_simem_size_0:
called_computation_lowered:
.L_overlay_start_0:
0x88: {  	s2 =	sld [smem:$0x3FD9]  }
0x89: {  	s3 =	sld [smem:$0x3FFE];
	_ =	sdelay $0x1  }
0x8a: {  	s1 =	srdreg.scid  }
0x8b: {  	s0 =	sand.u32 $0x1, s1  }
0x8c: {  	s17 =	sshll.u32 s0, $0xA;
	s2 =	sadd.s32 s3, s2  }
0x8d: {  	s2 =	sadd.s32 s2, s17  }
0x8e: {  	[smem:$0x3FC2] =	sst s2  }
0x8f: {  	_ = 	snop  }
0x90: {  	s2 =	sld [smem:$0x3FC9]  }
0x91: {  	s18 =	sld [smem:$0x3FC8];
	(tm) =	ssettm $0x1  }
0x92: {  	s4 =	sld [smem:$0x3FFB];
	_ =	sdelay $0x3  }
0x93: {  	_ =	strace s4  }
0x94: {  	s4 =	sld [smem:$0x3FFC];
	_ =	sdelay $0x3  }
0x95: {  	_ =	strace s4  }
0x96: {  	s4 =	sld [smem:$0x3FFD];
	_ =	sdelay $0x3  }
0x97: {  	_ =	strace s4  }
0x98: {  	_ =	strace $0x8FFFFFFF  }
0x99: {  	s19 =	sld [smem:$0x3FDB];
	_ =	sdelay $0x1  }
0x9a: {  	s5 =	simm.s32 $_scs_section_size  }
0x9b: {  	s6 =	simm.s32 $_size__tile_overlayer_lowered;
	s7 =	simm.s32 $_tile_overlayer_lowered  }
0x9c: {  	s22 =	simm.s32 $0x1BFF;
	s21 =	sshll.u32 s7, $0x1;
	s4 =	sadd.s32 s5, s19  }
0x9d: {  	s8 =	simm.s32 $0x0;
	s20 =	sshll.u32 s6, $0x1;
	s6 =	sadd.s32 s21, s4  }
0x9e: {  	[timem:s8], [sflag:s22] =	dma.local [hbm:s6], s20  }
0x9f: {  	_ =	swait.ge [sflag:s22], s20  }
0xa0: {  	s5 =	ssub.s32 $0x0, s20;
	[sflag:s22] =	ssyncset.done $0x0  }
0xa1: {  	[sflag:s22] =	ssyncadd.s32 s5;
	_ =	sdelay $0x1  }
0xa2: {  	s23 =	simm.s32 $0x1B8B  }
0xa3: {  	_ =	swait.ge [sflag:s23], $0x1  }
0xa4: {  	[sflag:s23] =	ssyncset.done $0x0  }
0xa5: {  	s25 =	simm.s32 $0x1B8E;
	s24 =	sld [smem:$0x3FFE];
	[sflag:s23] =	ssyncadd.s32 $0xFFFFFFFF  }
0xa6: {  	s26 =	simm.s32 $execute0_lowered;
	[smem:$0x3FD2] =	sst s25  }
0xa7: {  	s6 =	sshll.u32 s26, $0x1;
	_ =	strace $0x80000046;
	[dreg:$0x1] =	wrdreg $0xFFFFFFFF  }
0xa8: {  	s28 =	simm.s32 $_size_execute0_lowered;
	s4 =	sadd.s32 s4, s6;
	[dreg:$0x0] =	wrdreg $0x0  }
0xa9: {  	s6 =	sshll.u32 s28, $0x1;
	[dreg:$0x2] =	wrdreg s4  }
0xaa: {  	[dreg:$0x3] =	wrdreg s6  }
0xab: {  	[dreg:$0x4] =	wrdreg $0xC0  }
0xac: {  	_ =	task [dreg:s8], $0x5FFFF  }
0xad: {  	[dreg:$0x1] =	wrdreg $0xFFFFFFFF  }
0xae: {  	[dreg:$0x0] =	wrdreg $0x60  }
0xaf: {  	[dreg:$0x2] =	wrdreg s18  }
0xb0: {  	[dreg:$0x3] =	wrdreg s2  }
0xb1: {  	[dreg:$0x4] =	wrdreg s24  }
0xb2: {  	[dreg:$0x5] =	wrdreg $0x9  }
0xb3: {  	_ =	task.clear_ibuf [dreg:s8], $0x6FFFF;
	_ =	strace $0x90000046  }
0xb4: {  	s29 =	simm.s32 $0x9;
	_ =	strace $0x80000048  }
0xb5: {  	_ =	swait.ge [sflag:s29], $0x1  }
0xb6: {  	[sflag:s29] =	ssyncadd.s32 $0xFFFFFFFF  }
0xb7: {  	_ =	strace $0x90000048  }
0xb8: {  	_ =	sfence  }
0xb9: {  	s30 =	sld [smem:$0x0];
	_ =	sdelay $0x2  }
0xba: {  	s31 =	sshll.u32 s1, $0xD;
	s1 =	sshrl.u32 s1, $0x2  }
0xbb: {  	s3 =	sand.u32 $0x4000, s31;
	s1 =	sadd.s32 s1, s30  }
0xbc: {  	s0 =	sor.u32 s3, s0;
	s1 =	sshll.u32 s1, $0x11  }
0xbd: {  	s0 =	sor.u32 s1, s0  }
0xbe: {  	s0 =	sadd.s32 $0x8F2B, s0  }
0xbf: {  	[sflag:s0] =	ssyncadd.remote.s32 $0x1  }
0xc0: {  	_ =	sfence.sel $0xFFFF  }
0xc1: {  	[dreg:$0x0] =	wrdreg $0xFFFFFFFF;
	(pc) =	sbr.abs _section_cstart, $3  }
0xc2: {  	[dreg:$0x1] =	wrdreg $0xFFFFFFFF  }
0xc3: {  	_ =	task.clear_ibuf [dreg:s8], $0x2FFFF;
	_ =	strace $0x9FFFFFFF  }
0xc4: {  	(tm) =	ssettm $0x7FFFFFFF  }
0xc5: {  	_ =	shalt  }
tec
execute0_lowered:
.L_overlay_start_1:
0x0: {  	(tag) =	ssettag $0x1  }
0x1: {  	s1 =	rddreg [dreg:$0x0]  }
0x2: {  	s3 =	rddreg [dreg:$0x1]  }
0x3: {  	s2 =	srdreg.scid;
	s0 =	stileid.u32  }
0x4: {  	s10 =	rddreg [dreg:$0x2];
	s4 =	simm.s32 $0x0;
	s12 =	simm.s32 $0x80  }
0x5: {  	s13 =	simm.s32 $0x400;
	s14 =	simm.s32 $0x18700;
	s15 =	simm.s32 $0x3  }
0x6: {  	s16 =	simm.s32 $0x1C700;
	s17 =	simm.s32 $0x1D700;
	s18 =	simm.s32 $0x1  }
0x7: {  	s19 =	simm.s32 $0x2;
	s5 =	sand.u32 $0x1, s2;
	s2 =	rddreg [dreg:$0x3]  }
0x8: {  	s20 =	simm.s32 $0x0;
	s6 =	sshll.u32 s0, $0x1;
	[smem:$0x7FF] =	sst s4  }
0x9: {  	s9 =	sadd.s32 $0x2C00, s10;
	s6 =	sor.u32 s5, s6;
	s7 =	ssub.s32 $0x2, s5  }
0xa: {  	_ =	strace $0x80000047;
	s5 =	smul.u32 $0xD, s6;
	s8 =	sshrl.u32 s7, $0x1  }
0xb: {  	s6 =	sadd.s32 $0xC00, s10;
	s11 =	ssub.s32 s7, s8;
	s8 =	sadd.s32 $0x1C00, s10  }
0xc: {  	s10 =	sadd.s32 $0x3C00, s10;
	s7 =	sadd.s32 $0xD, s5;
	s11 =	smax.u32 s11, $0x1  }
.LBB2_1:
0xd: {  	s21 =	smov.u32 s5  }
.LBB2_2:
0xe: {  	s22 =	sand.u32 $0xF, s21;
	p0 =	seq.s32 s21, s5  }
0xf: {  	p1 =	sne.s32 @!p0 s22, $0x0  }
0x10: {  	p0 =	por p0, !p1  }
0x11: {  	s22 =	sshll.u32 @p0 s21, $0xA;
	s23 =	sshll.u32 @p0 s21, $0x3  }
0x12: {  	s22 =	sand.u32 @p0 $0xFFFE0000, s22;
	s23 =	sand.u32 @p0 $0x380, s23  }
0x13: {  	s22 =	sor.u32 @p0 s23, s22  }
0x14: {  	s22 =	sshrl.u32 @p0 s22, $0x3  }
0x15: {  	s22 =	sadd.s32 @p0 s3, s22  }
0x16: {  	[tilespmem:s14], [sflag:$0x3] =	stream.strided.gather @p0 [hbm4b:s22+s12], $0x4000, s13, s12, $0x38;
	[tilespmem:$0x1E700] =	vst v63  }
0x17: {  	s22 =	sshrl.u32 s21, $0x3  }
0x18: {  	s30 =	sshll.u32 s21, $0x7;
	s24 =	smul.u32 $0xC3800, s22  }
0x19: {  	s23 =	sand.u32 $0x380, s30  }
0x1a: {  	_ =	swait.ge @p0 [sflag:s15], $0x4000;
	s24 =	sor.u32 s23, s24  }
0x1b: {  	[sflag:s15] =	ssyncset.done @p0 $0x0;
	s24 =	sshrl.u32 s24, $0x3  }
0x1c: {  	[sflag:s15] =	ssyncadd.s32 @p0 $0xFFFFC000;
	s24 =	sadd.s32 s1, s24  }
0x1d: {  	[tilespmem:s4], [sflag:$0x3] =	stream.strided.gather [hbm4b:s24+s12], $0x18700, s13, s12, $0x38;
	[tilespmem:$0x1E700] =	vst v63  }
0x1e: {  	_ =	swait.ge [sflag:s15], $0x18700  }
0x1f: {  	[sflag:s15] =	ssyncset.done $0x0  }
0x20: {  	s31 =	simm.s32 $0x18780;
	[sflag:s15] =	ssyncadd.s32 $0xFFFE7900  }
0x21: {  	v0 =	vld [tilespmem:s31+$0x70]  }
0x22: {  	v1 =	vld [tilespmem:s31+$0xFFFFFF90]  }
0x23: {  	v2 =	vld [tilespmem:s31+$0xFFFFFFA0]  }
0x24: {  	v3 =	vld [tilespmem:s31+$0xFFFFFFB0]  }
0x25: {  	v4 =	vld [tilespmem:s31+$0xFFFFFFC0]  }
0x26: {  	v5 =	vld [tilespmem:s31+$0xFFFFFFD0]  }
0x27: {  	v6 =	vld [tilespmem:s31+$0xFFFFFFE0]  }
0x28: {  	v7 =	vld [tilespmem:s31+$0xFFFFFFF0]  }
0x29: {  	v8 =	vld [tilespmem:s31+$0x0]  }
0x2a: {  	v9 =	vld [tilespmem:s31+$0x10]  }
0x2b: {  	v10 =	vld [tilespmem:s31+$0x20]  }
0x2c: {  	v11 =	vld [tilespmem:s31+$0x30]  }
0x2d: {  	v12 =	vld [tilespmem:s31+$0x40]  }
0x2e: {  	v13 =	vld [tilespmem:s31+$0x50]  }
0x2f: {  	v14 =	vld [tilespmem:s31+$0x60]  }
0x30: {  	v15 =	vld [tilespmem:s31+$0xFFFFFF80]  }
0x31: {  	v0 =	vld.idx.msk [tilespmem:v0+s4+$0x0], $0xffff  }
0x32: {  	v1 =	vld.idx.msk [tilespmem:v1+s4+$0x0], $0xffff  }
0x33: {  	v2 =	vld.idx.msk [tilespmem:v2+s4+$0x0], $0xffff  }
0x34: {  	v3 =	vld.idx.msk [tilespmem:v3+s4+$0x0], $0xffff  }
0x35: {  	v4 =	vld.idx.msk [tilespmem:v4+s4+$0x0], $0xffff  }
0x36: {  	s24 =	simm.s32 $0x1C780;
	v5 =	vld.idx.msk [tilespmem:v5+s4+$0x0], $0xffff  }
0x37: {  	v6 =	vld.idx.msk [tilespmem:v6+s4+$0x0], $0xffff;
	[tilespmem:s24+$0x70] =	vst v0  }
0x38: {  	v7 =	vld.idx.msk [tilespmem:v7+s4+$0x0], $0xffff;
	[tilespmem:s24+$0xFFFFFF90] =	vst v1  }
0x39: {  	v15 =	vld.idx.msk [tilespmem:v15+s4+$0x0], $0xffff;
	[tilespmem:s24+$0xFFFFFFA0] =	vst v2  }
0x3a: {  	v8 =	vld.idx.msk [tilespmem:v8+s4+$0x0], $0xffff;
	[tilespmem:s24+$0xFFFFFFB0] =	vst v3  }
0x3b: {  	[tilespmem:s24+$0xFFFFFFC0] =	vst v4;
	v0 =	vld.idx.msk [tilespmem:v9+s4+$0x0], $0xffff  }
0x3c: {  	[tilespmem:s24+$0xFFFFFFD0] =	vst v5;
	v1 =	vld.idx.msk [tilespmem:v10+s4+$0x0], $0xffff  }
0x3d: {  	[tilespmem:s24+$0xFFFFFFE0] =	vst v6;
	v2 =	vld.idx.msk [tilespmem:v11+s4+$0x0], $0xffff  }
0x3e: {  	[tilespmem:s24+$0xFFFFFFF0] =	vst v7;
	v3 =	vld.idx.msk [tilespmem:v12+s4+$0x0], $0xffff  }
0x3f: {  	[tilespmem:s24+$0xFFFFFF80] =	vst v15;
	v4 =	vld.idx.msk [tilespmem:v13+s4+$0x0], $0xffff  }
0x40: {  	s25 =	simm.s32 $0x0;
	s26 =	simm.s32 $0x18880;
	[tilespmem:s24+$0x0] =	vst v8;
	v5 =	vld.idx.msk [tilespmem:v14+s4+$0x0], $0xffff  }
.LBB2_3:
0x41: {  	v6 =	vld [tilespmem:s26+$0x70];
	s25 =	sadd.s32 $0x100, s25;
	[tilespmem:s24+$0x10] =	vst v0  }
0x42: {  	v0 =	vld [tilespmem:s26+$0xFFFFFF90];
	p0 =	slt.u32 s25, $0xF00;
	[tilespmem:s24+$0x20] =	vst v1  }
0x43: {  	v1 =	vld [tilespmem:s26+$0xFFFFFFA0];
	[tilespmem:s24+$0x30] =	vst v2  }
0x44: {  	v2 =	vld [tilespmem:s26+$0xFFFFFFB0];
	[tilespmem:s24+$0x40] =	vst v3  }
0x45: {  	v3 =	vld [tilespmem:s26+$0xFFFFFFC0];
	[tilespmem:s24+$0x50] =	vst v4  }
0x46: {  	v4 =	vld [tilespmem:s26+$0xFFFFFFD0];
	[tilespmem:s24+$0x60] =	vst v5  }
0x47: {  	v5 =	vld [tilespmem:s26+$0xFFFFFFE0]  }
0x48: {  	v7 =	vld [tilespmem:s26+$0xFFFFFFF0]  }
0x49: {  	v6 =	vld.idx.msk [tilespmem:v6+s4+$0x0], $0xffff  }
0x4a: {  	v8 =	vld [tilespmem:s26+$0x0]  }
0x4b: {  	v9 =	vld [tilespmem:s26+$0x10]  }
0x4c: {  	v10 =	vld [tilespmem:s26+$0x20]  }
0x4d: {  	v11 =	vld [tilespmem:s26+$0x30]  }
0x4e: {  	s24 =	sadd.s32 $0x100, s24;
	v12 =	vld [tilespmem:s26+$0x40]  }
0x4f: {  	v13 =	vld [tilespmem:s26+$0x50];
	[tilespmem:s24+$0x70] =	vst v6  }
0x50: {  	v6 =	vld [tilespmem:s26+$0x60]  }
0x51: {  	v14 =	vld [tilespmem:s26+$0xFFFFFF80]  }
0x52: {  	v0 =	vld.idx.msk [tilespmem:v0+s4+$0x0], $0xffff  }
0x53: {  	v1 =	vld.idx.msk [tilespmem:v1+s4+$0x0], $0xffff  }
0x54: {  	v2 =	vld.idx.msk [tilespmem:v2+s4+$0x0], $0xffff  }
0x55: {  	v3 =	vld.idx.msk [tilespmem:v3+s4+$0x0], $0xffff  }
0x56: {  	v4 =	vld.idx.msk [tilespmem:v4+s4+$0x0], $0xffff  }
0x57: {  	v5 =	vld.idx.msk [tilespmem:v5+s4+$0x0], $0xffff  }
0x58: {  	[tilespmem:s24+$0xFFFFFF90] =	vst v0;
	v7 =	vld.idx.msk [tilespmem:v7+s4+$0x0], $0xffff  }
0x59: {  	v14 =	vld.idx.msk [tilespmem:v14+s4+$0x0], $0xffff;
	[tilespmem:s24+$0xFFFFFFA0] =	vst v1  }
0x5a: {  	[tilespmem:s24+$0xFFFFFFB0] =	vst v2;
	v8 =	vld.idx.msk [tilespmem:v8+s4+$0x0], $0xffff  }
0x5b: {  	[tilespmem:s24+$0xFFFFFFC0] =	vst v3;
	v0 =	vld.idx.msk [tilespmem:v9+s4+$0x0], $0xffff  }
.Ltmp0:
0x5c: {  	[tilespmem:s24+$0xFFFFFFD0] =	vst v4;
	v1 =	vld.idx.msk [tilespmem:v10+s4+$0x0], $0xffff;
	(pc) =	sbr.rel @p0 .LBB2_3-.Ltmp0, $4  }
0x5d: {  	[tilespmem:s24+$0xFFFFFFE0] =	vst v5;
	v2 =	vld.idx.msk [tilespmem:v11+s4+$0x0], $0xffff  }
0x5e: {  	[tilespmem:s24+$0xFFFFFFF0] =	vst v7;
	v3 =	vld.idx.msk [tilespmem:v12+s4+$0x0], $0xffff  }
0x5f: {  	[tilespmem:s24+$0xFFFFFF80] =	vst v14;
	v4 =	vld.idx.msk [tilespmem:v13+s4+$0x0], $0xffff  }
0x60: {  	s26 =	sadd.s32 $0x100, s26;
	[tilespmem:s24+$0x0] =	vst v8;
	v5 =	vld.idx.msk [tilespmem:v6+s4+$0x0], $0xffff  }
0x61: {  	[tilespmem:s24+$0x10] =	vst v0  }
0x62: {  	[tilespmem:s24+$0x20] =	vst v1  }
0x63: {  	s22 =	sshll.u32 s22, $0x11;
	[tilespmem:s24+$0x30] =	vst v2  }
0x64: {  	s22 =	sor.u32 s23, s22;
	[tilespmem:s24+$0x40] =	vst v3  }
0x65: {  	s22 =	sshrl.u32 s22, $0x3;
	[tilespmem:s24+$0x50] =	vst v4  }
0x66: {  	s31 =	simm.s32 $0x197F0;
	s30 =	sadd.s32 s6, s22;
	[tilespmem:s24+$0x60] =	vst v5  }
0x67: {  	[hbm4b:s30+s12] =	stream.strided.scatter [tilespmem:s16], [sflag:$0x1], $0x1000, s13, s12, $0x38;
	[tilespmem:$0x1E700] =	vst v63  }
0x68: {  	v0 =	vld [tilespmem:s31+$0x0]  }
0x69: {  	v1 =	vld [tilespmem:s31+$0xFFFFFF20]  }
0x6a: {  	v2 =	vld [tilespmem:s31+$0xFFFFFF30]  }
0x6b: {  	v3 =	vld [tilespmem:s31+$0xFFFFFF40]  }
0x6c: {  	v4 =	vld [tilespmem:s31+$0xFFFFFF50]  }
0x6d: {  	v5 =	vld [tilespmem:s31+$0xFFFFFF60]  }
0x6e: {  	v6 =	vld [tilespmem:s31+$0xFFFFFF70]  }
0x6f: {  	v7 =	vld [tilespmem:s31+$0xFFFFFF80]  }
0x70: {  	v8 =	vld [tilespmem:s31+$0xFFFFFF90]  }
0x71: {  	v9 =	vld [tilespmem:s31+$0xFFFFFFA0]  }
0x72: {  	v10 =	vld [tilespmem:s31+$0xFFFFFFB0]  }
0x73: {  	v11 =	vld [tilespmem:s31+$0xFFFFFFC0]  }
0x74: {  	v12 =	vld [tilespmem:s31+$0xFFFFFFD0]  }
0x75: {  	v13 =	vld [tilespmem:s31+$0xFFFFFFE0]  }
0x76: {  	v14 =	vld [tilespmem:s31+$0xFFFFFFF0]  }
0x77: {  	v15 =	vld [tilespmem:s31+$0xFFFFFF10]  }
0x78: {  	v0 =	vld.idx.msk [tilespmem:v0+s4+$0x0], $0xffff  }
0x79: {  	v1 =	vld.idx.msk [tilespmem:v1+s4+$0x0], $0xffff  }
0x7a: {  	v2 =	vld.idx.msk [tilespmem:v2+s4+$0x0], $0xffff  }
0x7b: {  	v3 =	vld.idx.msk [tilespmem:v3+s4+$0x0], $0xffff  }
0x7c: {  	v4 =	vld.idx.msk [tilespmem:v4+s4+$0x0], $0xffff  }
0x7d: {  	s23 =	simm.s32 $0x1D780;
	v5 =	vld.idx.msk [tilespmem:v5+s4+$0x0], $0xffff  }
0x7e: {  	v6 =	vld.idx.msk [tilespmem:v6+s4+$0x0], $0xffff;
	[tilespmem:s23+$0x70] =	vst v0  }
0x7f: {  	v7 =	vld.idx.msk [tilespmem:v7+s4+$0x0], $0xffff;
	[tilespmem:s23+$0xFFFFFF90] =	vst v1  }
0x80: {  	v15 =	vld.idx.msk [tilespmem:v15+s4+$0x0], $0xffff;
	[tilespmem:s23+$0xFFFFFFA0] =	vst v2  }
0x81: {  	v8 =	vld.idx.msk [tilespmem:v8+s4+$0x0], $0xffff;
	[tilespmem:s23+$0xFFFFFFB0] =	vst v3  }
0x82: {  	[tilespmem:s23+$0xFFFFFFC0] =	vst v4;
	v0 =	vld.idx.msk [tilespmem:v9+s4+$0x0], $0xffff  }
0x83: {  	[tilespmem:s23+$0xFFFFFFD0] =	vst v5;
	v1 =	vld.idx.msk [tilespmem:v10+s4+$0x0], $0xffff  }
0x84: {  	[tilespmem:s23+$0xFFFFFFE0] =	vst v6;
	v2 =	vld.idx.msk [tilespmem:v11+s4+$0x0], $0xffff  }
0x85: {  	[tilespmem:s23+$0xFFFFFFF0] =	vst v7;
	v3 =	vld.idx.msk [tilespmem:v12+s4+$0x0], $0xffff  }
0x86: {  	[tilespmem:s23+$0xFFFFFF80] =	vst v15;
	v4 =	vld.idx.msk [tilespmem:v13+s4+$0x0], $0xffff  }
0x87: {  	s25 =	simm.s32 $0x198F0;
	s24 =	simm.s32 $0x0;
	[tilespmem:s23+$0x0] =	vst v8;
	v5 =	vld.idx.msk [tilespmem:v14+s4+$0x0], $0xffff  }
.LBB2_5:
0x88: {  	v6 =	vld [tilespmem:s25+$0x0];
	s24 =	sadd.s32 $0x100, s24;
	[tilespmem:s23+$0x10] =	vst v0  }
0x89: {  	v0 =	vld [tilespmem:s25+$0xFFFFFF20];
	p0 =	slt.u32 s24, $0xF00;
	[tilespmem:s23+$0x20] =	vst v1  }
0x8a: {  	v1 =	vld [tilespmem:s25+$0xFFFFFF30];
	[tilespmem:s23+$0x30] =	vst v2  }
0x8b: {  	v2 =	vld [tilespmem:s25+$0xFFFFFF40];
	[tilespmem:s23+$0x40] =	vst v3  }
0x8c: {  	v3 =	vld [tilespmem:s25+$0xFFFFFF50];
	[tilespmem:s23+$0x50] =	vst v4  }
0x8d: {  	v4 =	vld [tilespmem:s25+$0xFFFFFF60];
	[tilespmem:s23+$0x60] =	vst v5  }
0x8e: {  	v5 =	vld [tilespmem:s25+$0xFFFFFF70]  }
0x8f: {  	v7 =	vld [tilespmem:s25+$0xFFFFFF80]  }
0x90: {  	v6 =	vld.idx.msk [tilespmem:v6+s4+$0x0], $0xffff  }
0x91: {  	v8 =	vld [tilespmem:s25+$0xFFFFFF90]  }
0x92: {  	v9 =	vld [tilespmem:s25+$0xFFFFFFA0]  }
0x93: {  	v10 =	vld [tilespmem:s25+$0xFFFFFFB0]  }
0x94: {  	v11 =	vld [tilespmem:s25+$0xFFFFFFC0]  }
0x95: {  	s23 =	sadd.s32 $0x100, s23;
	v12 =	vld [tilespmem:s25+$0xFFFFFFD0]  }
0x96: {  	v13 =	vld [tilespmem:s25+$0xFFFFFFE0];
	[tilespmem:s23+$0x70] =	vst v6  }
0x97: {  	v6 =	vld [tilespmem:s25+$0xFFFFFFF0]  }
0x98: {  	v14 =	vld [tilespmem:s25+$0xFFFFFF10]  }
0x99: {  	v0 =	vld.idx.msk [tilespmem:v0+s4+$0x0], $0xffff  }
0x9a: {  	v1 =	vld.idx.msk [tilespmem:v1+s4+$0x0], $0xffff  }
0x9b: {  	v2 =	vld.idx.msk [tilespmem:v2+s4+$0x0], $0xffff  }
0x9c: {  	v3 =	vld.idx.msk [tilespmem:v3+s4+$0x0], $0xffff  }
0x9d: {  	v4 =	vld.idx.msk [tilespmem:v4+s4+$0x0], $0xffff  }
0x9e: {  	v5 =	vld.idx.msk [tilespmem:v5+s4+$0x0], $0xffff  }
0x9f: {  	[tilespmem:s23+$0xFFFFFF90] =	vst v0;
	v7 =	vld.idx.msk [tilespmem:v7+s4+$0x0], $0xffff  }
0xa0: {  	v14 =	vld.idx.msk [tilespmem:v14+s4+$0x0], $0xffff;
	[tilespmem:s23+$0xFFFFFFA0] =	vst v1  }
0xa1: {  	[tilespmem:s23+$0xFFFFFFB0] =	vst v2;
	v8 =	vld.idx.msk [tilespmem:v8+s4+$0x0], $0xffff  }
0xa2: {  	[tilespmem:s23+$0xFFFFFFC0] =	vst v3;
	v0 =	vld.idx.msk [tilespmem:v9+s4+$0x0], $0xffff  }
.Ltmp1:
0xa3: {  	[tilespmem:s23+$0xFFFFFFD0] =	vst v4;
	v1 =	vld.idx.msk [tilespmem:v10+s4+$0x0], $0xffff;
	(pc) =	sbr.rel @p0 .LBB2_5-.Ltmp1, $4  }
0xa4: {  	[tilespmem:s23+$0xFFFFFFE0] =	vst v5;
	v2 =	vld.idx.msk [tilespmem:v11+s4+$0x0], $0xffff  }
0xa5: {  	[tilespmem:s23+$0xFFFFFFF0] =	vst v7;
	v3 =	vld.idx.msk [tilespmem:v12+s4+$0x0], $0xffff  }
0xa6: {  	[tilespmem:s23+$0xFFFFFF80] =	vst v14;
	v4 =	vld.idx.msk [tilespmem:v13+s4+$0x0], $0xffff  }
0xa7: {  	s25 =	sadd.s32 $0x100, s25;
	[tilespmem:s23+$0x0] =	vst v8;
	v5 =	vld.idx.msk [tilespmem:v6+s4+$0x0], $0xffff  }
0xa8: {  	[tilespmem:s23+$0x10] =	vst v0  }
0xa9: {  	[tilespmem:s23+$0x20] =	vst v1  }
0xaa: {  	[tilespmem:s23+$0x30] =	vst v2  }
0xab: {  	[tilespmem:s23+$0x40] =	vst v3  }
0xac: {  	[tilespmem:s23+$0x50] =	vst v4  }
0xad: {  	s30 =	sadd.s32 s22, s8;
	[tilespmem:s23+$0x60] =	vst v5  }
0xae: {  	[hbm4b:s30+s12] =	stream.strided.scatter [tilespmem:s17], [sflag:$0x2], $0x1000, s13, s12, $0x38;
	[tilespmem:$0x1E700] =	vst v63  }
0xaf: {  	_ =	swait.ge [sflag:s18], $0x1000  }
0xb0: {  	[sflag:s18] =	ssyncset.done $0x0  }
0xb1: {  	s31 =	simm.s32 $0x1A7F0;
	[sflag:s18] =	ssyncadd.s32 $0xFFFFF000  }
0xb2: {  	v0 =	vld [tilespmem:s31+$0x0]  }
0xb3: {  	v1 =	vld [tilespmem:s31+$0xFFFFFF20]  }
0xb4: {  	v2 =	vld [tilespmem:s31+$0xFFFFFF30]  }
0xb5: {  	v3 =	vld [tilespmem:s31+$0xFFFFFF40]  }
0xb6: {  	v4 =	vld [tilespmem:s31+$0xFFFFFF50]  }
0xb7: {  	v5 =	vld [tilespmem:s31+$0xFFFFFF60]  }
0xb8: {  	v6 =	vld [tilespmem:s31+$0xFFFFFF70]  }
0xb9: {  	v7 =	vld [tilespmem:s31+$0xFFFFFF80]  }
0xba: {  	v8 =	vld [tilespmem:s31+$0xFFFFFF90]  }
0xbb: {  	v9 =	vld [tilespmem:s31+$0xFFFFFFA0]  }
0xbc: {  	v10 =	vld [tilespmem:s31+$0xFFFFFFB0]  }
0xbd: {  	v11 =	vld [tilespmem:s31+$0xFFFFFFC0]  }
0xbe: {  	v12 =	vld [tilespmem:s31+$0xFFFFFFD0]  }
0xbf: {  	v13 =	vld [tilespmem:s31+$0xFFFFFFE0]  }
0xc0: {  	v14 =	vld [tilespmem:s31+$0xFFFFFFF0]  }
0xc1: {  	v15 =	vld [tilespmem:s31+$0xFFFFFF10]  }
0xc2: {  	v0 =	vld.idx.msk [tilespmem:v0+s4+$0x0], $0xffff  }
0xc3: {  	v1 =	vld.idx.msk [tilespmem:v1+s4+$0x0], $0xffff  }
0xc4: {  	v2 =	vld.idx.msk [tilespmem:v2+s4+$0x0], $0xffff  }
0xc5: {  	v3 =	vld.idx.msk [tilespmem:v3+s4+$0x0], $0xffff  }
0xc6: {  	v4 =	vld.idx.msk [tilespmem:v4+s4+$0x0], $0xffff  }
0xc7: {  	s23 =	simm.s32 $0x1C780;
	v5 =	vld.idx.msk [tilespmem:v5+s4+$0x0], $0xffff  }
0xc8: {  	v6 =	vld.idx.msk [tilespmem:v6+s4+$0x0], $0xffff;
	[tilespmem:s23+$0x70] =	vst v0  }
0xc9: {  	v7 =	vld.idx.msk [tilespmem:v7+s4+$0x0], $0xffff;
	[tilespmem:s23+$0xFFFFFF90] =	vst v1  }
0xca: {  	v15 =	vld.idx.msk [tilespmem:v15+s4+$0x0], $0xffff;
	[tilespmem:s23+$0xFFFFFFA0] =	vst v2  }
0xcb: {  	v8 =	vld.idx.msk [tilespmem:v8+s4+$0x0], $0xffff;
	[tilespmem:s23+$0xFFFFFFB0] =	vst v3  }
0xcc: {  	[tilespmem:s23+$0xFFFFFFC0] =	vst v4;
	v0 =	vld.idx.msk [tilespmem:v9+s4+$0x0], $0xffff  }
0xcd: {  	[tilespmem:s23+$0xFFFFFFD0] =	vst v5;
	v1 =	vld.idx.msk [tilespmem:v10+s4+$0x0], $0xffff  }
0xce: {  	[tilespmem:s23+$0xFFFFFFE0] =	vst v6;
	v2 =	vld.idx.msk [tilespmem:v11+s4+$0x0], $0xffff  }
0xcf: {  	[tilespmem:s23+$0xFFFFFFF0] =	vst v7;
	v3 =	vld.idx.msk [tilespmem:v12+s4+$0x0], $0xffff  }
0xd0: {  	[tilespmem:s23+$0xFFFFFF80] =	vst v15;
	v4 =	vld.idx.msk [tilespmem:v13+s4+$0x0], $0xffff  }
0xd1: {  	s24 =	simm.s32 $0x0;
	s25 =	simm.s32 $0x1A8F0;
	[tilespmem:s23+$0x0] =	vst v8;
	v5 =	vld.idx.msk [tilespmem:v14+s4+$0x0], $0xffff  }
.LBB2_7:
0xd2: {  	v6 =	vld [tilespmem:s25+$0x0];
	s24 =	sadd.s32 $0x100, s24;
	[tilespmem:s23+$0x10] =	vst v0  }
0xd3: {  	v0 =	vld [tilespmem:s25+$0xFFFFFF20];
	p0 =	slt.u32 s24, $0xF00;
	[tilespmem:s23+$0x20] =	vst v1  }
0xd4: {  	v1 =	vld [tilespmem:s25+$0xFFFFFF30];
	[tilespmem:s23+$0x30] =	vst v2  }
0xd5: {  	v2 =	vld [tilespmem:s25+$0xFFFFFF40];
	[tilespmem:s23+$0x40] =	vst v3  }
0xd6: {  	v3 =	vld [tilespmem:s25+$0xFFFFFF50];
	[tilespmem:s23+$0x50] =	vst v4  }
0xd7: {  	v4 =	vld [tilespmem:s25+$0xFFFFFF60];
	[tilespmem:s23+$0x60] =	vst v5  }
0xd8: {  	v5 =	vld [tilespmem:s25+$0xFFFFFF70]  }
0xd9: {  	v7 =	vld [tilespmem:s25+$0xFFFFFF80]  }
0xda: {  	v6 =	vld.idx.msk [tilespmem:v6+s4+$0x0], $0xffff  }
0xdb: {  	v8 =	vld [tilespmem:s25+$0xFFFFFF90]  }
0xdc: {  	v9 =	vld [tilespmem:s25+$0xFFFFFFA0]  }
0xdd: {  	v10 =	vld [tilespmem:s25+$0xFFFFFFB0]  }
0xde: {  	v11 =	vld [tilespmem:s25+$0xFFFFFFC0]  }
0xdf: {  	s23 =	sadd.s32 $0x100, s23;
	v12 =	vld [tilespmem:s25+$0xFFFFFFD0]  }
0xe0: {  	v13 =	vld [tilespmem:s25+$0xFFFFFFE0];
	[tilespmem:s23+$0x70] =	vst v6  }
0xe1: {  	v6 =	vld [tilespmem:s25+$0xFFFFFFF0]  }
0xe2: {  	v14 =	vld [tilespmem:s25+$0xFFFFFF10]  }
0xe3: {  	v0 =	vld.idx.msk [tilespmem:v0+s4+$0x0], $0xffff  }
0xe4: {  	v1 =	vld.idx.msk [tilespmem:v1+s4+$0x0], $0xffff  }
0xe5: {  	v2 =	vld.idx.msk [tilespmem:v2+s4+$0x0], $0xffff  }
0xe6: {  	v3 =	vld.idx.msk [tilespmem:v3+s4+$0x0], $0xffff  }
0xe7: {  	v4 =	vld.idx.msk [tilespmem:v4+s4+$0x0], $0xffff  }
0xe8: {  	v5 =	vld.idx.msk [tilespmem:v5+s4+$0x0], $0xffff  }
0xe9: {  	[tilespmem:s23+$0xFFFFFF90] =	vst v0;
	v7 =	vld.idx.msk [tilespmem:v7+s4+$0x0], $0xffff  }
0xea: {  	v14 =	vld.idx.msk [tilespmem:v14+s4+$0x0], $0xffff;
	[tilespmem:s23+$0xFFFFFFA0] =	vst v1  }
0xeb: {  	[tilespmem:s23+$0xFFFFFFB0] =	vst v2;
	v8 =	vld.idx.msk [tilespmem:v8+s4+$0x0], $0xffff  }
0xec: {  	[tilespmem:s23+$0xFFFFFFC0] =	vst v3;
	v0 =	vld.idx.msk [tilespmem:v9+s4+$0x0], $0xffff  }
.Ltmp2:
0xed: {  	[tilespmem:s23+$0xFFFFFFD0] =	vst v4;
	v1 =	vld.idx.msk [tilespmem:v10+s4+$0x0], $0xffff;
	(pc) =	sbr.rel @p0 .LBB2_7-.Ltmp2, $4  }
0xee: {  	[tilespmem:s23+$0xFFFFFFE0] =	vst v5;
	v2 =	vld.idx.msk [tilespmem:v11+s4+$0x0], $0xffff  }
0xef: {  	[tilespmem:s23+$0xFFFFFFF0] =	vst v7;
	v3 =	vld.idx.msk [tilespmem:v12+s4+$0x0], $0xffff  }
0xf0: {  	[tilespmem:s23+$0xFFFFFF80] =	vst v14;
	v4 =	vld.idx.msk [tilespmem:v13+s4+$0x0], $0xffff  }
0xf1: {  	s25 =	sadd.s32 $0x100, s25;
	[tilespmem:s23+$0x0] =	vst v8;
	v5 =	vld.idx.msk [tilespmem:v6+s4+$0x0], $0xffff  }
0xf2: {  	[tilespmem:s23+$0x10] =	vst v0  }
0xf3: {  	[tilespmem:s23+$0x20] =	vst v1  }
0xf4: {  	[tilespmem:s23+$0x30] =	vst v2  }
0xf5: {  	[tilespmem:s23+$0x40] =	vst v3  }
0xf6: {  	[tilespmem:s23+$0x50] =	vst v4  }
0xf7: {  	s30 =	sadd.s32 s22, s9;
	[tilespmem:s23+$0x60] =	vst v5  }
0xf8: {  	[hbm4b:s30+s12] =	stream.strided.scatter [tilespmem:s16], [sflag:$0x1], $0x1000, s13, s12, $0x38;
	[tilespmem:$0x1E700] =	vst v63  }
0xf9: {  	_ =	swait.ge [sflag:s19], $0x1000  }
0xfa: {  	[sflag:s19] =	ssyncset.done $0x0  }
0xfb: {  	s31 =	simm.s32 $0x1B7F0;
	[sflag:s19] =	ssyncadd.s32 $0xFFFFF000  }
0xfc: {  	v0 =	vld [tilespmem:s31+$0x0]  }
0xfd: {  	v1 =	vld [tilespmem:s31+$0xFFFFFF20]  }
0xfe: {  	v2 =	vld [tilespmem:s31+$0xFFFFFF30]  }
0xff: {  	v3 =	vld [tilespmem:s31+$0xFFFFFF40]  }
0x100: {  	v4 =	vld [tilespmem:s31+$0xFFFFFF50]  }
0x101: {  	v5 =	vld [tilespmem:s31+$0xFFFFFF60]  }
0x102: {  	v6 =	vld [tilespmem:s31+$0xFFFFFF70]  }
0x103: {  	v7 =	vld [tilespmem:s31+$0xFFFFFF80]  }
0x104: {  	v8 =	vld [tilespmem:s31+$0xFFFFFF90]  }
0x105: {  	v9 =	vld [tilespmem:s31+$0xFFFFFFA0]  }
0x106: {  	v10 =	vld [tilespmem:s31+$0xFFFFFFB0]  }
0x107: {  	v11 =	vld [tilespmem:s31+$0xFFFFFFC0]  }
0x108: {  	v12 =	vld [tilespmem:s31+$0xFFFFFFD0]  }
0x109: {  	v13 =	vld [tilespmem:s31+$0xFFFFFFE0]  }
0x10a: {  	v14 =	vld [tilespmem:s31+$0xFFFFFFF0]  }
0x10b: {  	v15 =	vld [tilespmem:s31+$0xFFFFFF10]  }
0x10c: {  	v0 =	vld.idx.msk [tilespmem:v0+s4+$0x0], $0xffff  }
0x10d: {  	v1 =	vld.idx.msk [tilespmem:v1+s4+$0x0], $0xffff  }
0x10e: {  	v2 =	vld.idx.msk [tilespmem:v2+s4+$0x0], $0xffff  }
0x10f: {  	v3 =	vld.idx.msk [tilespmem:v3+s4+$0x0], $0xffff  }
0x110: {  	v4 =	vld.idx.msk [tilespmem:v4+s4+$0x0], $0xffff  }
0x111: {  	s23 =	simm.s32 $0x1D780;
	v5 =	vld.idx.msk [tilespmem:v5+s4+$0x0], $0xffff  }
0x112: {  	v6 =	vld.idx.msk [tilespmem:v6+s4+$0x0], $0xffff;
	[tilespmem:s23+$0x70] =	vst v0  }
0x113: {  	v7 =	vld.idx.msk [tilespmem:v7+s4+$0x0], $0xffff;
	[tilespmem:s23+$0xFFFFFF90] =	vst v1  }
0x114: {  	v15 =	vld.idx.msk [tilespmem:v15+s4+$0x0], $0xffff;
	[tilespmem:s23+$0xFFFFFFA0] =	vst v2  }
0x115: {  	v8 =	vld.idx.msk [tilespmem:v8+s4+$0x0], $0xffff;
	[tilespmem:s23+$0xFFFFFFB0] =	vst v3  }
0x116: {  	[tilespmem:s23+$0xFFFFFFC0] =	vst v4;
	v0 =	vld.idx.msk [tilespmem:v9+s4+$0x0], $0xffff  }
0x117: {  	[tilespmem:s23+$0xFFFFFFD0] =	vst v5;
	v1 =	vld.idx.msk [tilespmem:v10+s4+$0x0], $0xffff  }
0x118: {  	[tilespmem:s23+$0xFFFFFFE0] =	vst v6;
	v2 =	vld.idx.msk [tilespmem:v11+s4+$0x0], $0xffff  }
0x119: {  	[tilespmem:s23+$0xFFFFFFF0] =	vst v7;
	v3 =	vld.idx.msk [tilespmem:v12+s4+$0x0], $0xffff  }
0x11a: {  	[tilespmem:s23+$0xFFFFFF80] =	vst v15;
	v4 =	vld.idx.msk [tilespmem:v13+s4+$0x0], $0xffff  }
0x11b: {  	s24 =	simm.s32 $0x0;
	s25 =	simm.s32 $0x1B8F0;
	[tilespmem:s23+$0x0] =	vst v8;
	v5 =	vld.idx.msk [tilespmem:v14+s4+$0x0], $0xffff  }
.LBB2_9:
0x11c: {  	v6 =	vld [tilespmem:s25+$0x0];
	s24 =	sadd.s32 $0x100, s24;
	[tilespmem:s23+$0x10] =	vst v0  }
0x11d: {  	v0 =	vld [tilespmem:s25+$0xFFFFFF20];
	p0 =	slt.u32 s24, $0xF00;
	[tilespmem:s23+$0x20] =	vst v1  }
0x11e: {  	v1 =	vld [tilespmem:s25+$0xFFFFFF30];
	[tilespmem:s23+$0x30] =	vst v2  }
0x11f: {  	v2 =	vld [tilespmem:s25+$0xFFFFFF40];
	[tilespmem:s23+$0x40] =	vst v3  }
0x120: {  	v3 =	vld [tilespmem:s25+$0xFFFFFF50];
	[tilespmem:s23+$0x50] =	vst v4  }
0x121: {  	v4 =	vld [tilespmem:s25+$0xFFFFFF60];
	[tilespmem:s23+$0x60] =	vst v5  }
0x122: {  	v5 =	vld [tilespmem:s25+$0xFFFFFF70]  }
0x123: {  	v7 =	vld [tilespmem:s25+$0xFFFFFF80]  }
0x124: {  	v6 =	vld.idx.msk [tilespmem:v6+s4+$0x0], $0xffff  }
0x125: {  	v8 =	vld [tilespmem:s25+$0xFFFFFF90]  }
0x126: {  	v9 =	vld [tilespmem:s25+$0xFFFFFFA0]  }
0x127: {  	v10 =	vld [tilespmem:s25+$0xFFFFFFB0]  }
0x128: {  	v11 =	vld [tilespmem:s25+$0xFFFFFFC0]  }
0x129: {  	s23 =	sadd.s32 $0x100, s23;
	v12 =	vld [tilespmem:s25+$0xFFFFFFD0]  }
0x12a: {  	v13 =	vld [tilespmem:s25+$0xFFFFFFE0];
	[tilespmem:s23+$0x70] =	vst v6  }
0x12b: {  	v6 =	vld [tilespmem:s25+$0xFFFFFFF0]  }
0x12c: {  	v14 =	vld [tilespmem:s25+$0xFFFFFF10]  }
0x12d: {  	v0 =	vld.idx.msk [tilespmem:v0+s4+$0x0], $0xffff  }
0x12e: {  	v1 =	vld.idx.msk [tilespmem:v1+s4+$0x0], $0xffff  }
0x12f: {  	v2 =	vld.idx.msk [tilespmem:v2+s4+$0x0], $0xffff  }
0x130: {  	v3 =	vld.idx.msk [tilespmem:v3+s4+$0x0], $0xffff  }
0x131: {  	v4 =	vld.idx.msk [tilespmem:v4+s4+$0x0], $0xffff  }
0x132: {  	v5 =	vld.idx.msk [tilespmem:v5+s4+$0x0], $0xffff  }
0x133: {  	[tilespmem:s23+$0xFFFFFF90] =	vst v0;
	v7 =	vld.idx.msk [tilespmem:v7+s4+$0x0], $0xffff  }
0x134: {  	v14 =	vld.idx.msk [tilespmem:v14+s4+$0x0], $0xffff;
	[tilespmem:s23+$0xFFFFFFA0] =	vst v1  }
0x135: {  	[tilespmem:s23+$0xFFFFFFB0] =	vst v2;
	v8 =	vld.idx.msk [tilespmem:v8+s4+$0x0], $0xffff  }
0x136: {  	[tilespmem:s23+$0xFFFFFFC0] =	vst v3;
	v0 =	vld.idx.msk [tilespmem:v9+s4+$0x0], $0xffff  }
.Ltmp3:
0x137: {  	[tilespmem:s23+$0xFFFFFFD0] =	vst v4;
	v1 =	vld.idx.msk [tilespmem:v10+s4+$0x0], $0xffff;
	(pc) =	sbr.rel @p0 .LBB2_9-.Ltmp3, $4  }
0x138: {  	[tilespmem:s23+$0xFFFFFFE0] =	vst v5;
	v2 =	vld.idx.msk [tilespmem:v11+s4+$0x0], $0xffff  }
0x139: {  	[tilespmem:s23+$0xFFFFFFF0] =	vst v7;
	v3 =	vld.idx.msk [tilespmem:v12+s4+$0x0], $0xffff  }
0x13a: {  	[tilespmem:s23+$0xFFFFFF80] =	vst v14;
	v4 =	vld.idx.msk [tilespmem:v13+s4+$0x0], $0xffff  }
0x13b: {  	s25 =	sadd.s32 $0x100, s25;
	[tilespmem:s23+$0x0] =	vst v8;
	v5 =	vld.idx.msk [tilespmem:v6+s4+$0x0], $0xffff  }
0x13c: {  	[tilespmem:s23+$0x10] =	vst v0  }
0x13d: {  	[tilespmem:s23+$0x20] =	vst v1  }
0x13e: {  	[tilespmem:s23+$0x30] =	vst v2  }
0x13f: {  	[tilespmem:s23+$0x40] =	vst v3  }
0x140: {  	[tilespmem:s23+$0x50] =	vst v4  }
0x141: {  	s22 =	sadd.s32 s22, s10;
	s21 =	sadd.s32 $0x1, s21;
	[tilespmem:s23+$0x60] =	vst v5  }
0x142: {  	[hbm4b:s22+s12] =	stream.strided.scatter [tilespmem:s17], [sflag:$0x2], $0x1000, s13, s12, $0x38;
	[tilespmem:$0x1E700] =	vst v63  }
0x143: {  	p0 =	slt.u32 s21, s7;
	_ =	swait.ge [sflag:s18], $0x1000  }
.Ltmp4:
0x144: {  	[sflag:s18] =	ssyncset.done $0x0;
	(pc) =	sbr.rel @p0 .LBB2_2-.Ltmp4, $4  }
0x145: {  	[sflag:s18] =	ssyncadd.s32 $0xFFFFF000  }
0x146: {  	_ =	swait.ge [sflag:s19], $0x1000  }
0x147: {  	[sflag:s19] =	ssyncset.done $0x0  }
0x148: {  	[sflag:s19] =	ssyncadd.s32 $0xFFFFF000  }
0x149: {  	s20 =	sadd.s32 $0x1, s20  }
0x14a: {  	p0 =	sne.s32 s20, s11  }
.Ltmp5:
0x14b: {  	_ = 	snop;
	(pc) =	sbr.rel @p0 .LBB2_1-.Ltmp5, $1  }
0x14c: {  	_ =	sdelay $0x3  }
0x14d: {  	_ =	sfence.sel $0x180000  }
0x14e: {  	[bflag:$0x0] =	sbarrier.arrive $0xFFFF  }
0x14f: {  	p0 =	sne.s32 s0, $0x0;
	_ =	strace $0x90000047  }
0x150: {  	s0 =	sadd.s32 @!p0 $0x100000, s2;
	[bflag:$0x2] =	sbarrier.arrive $0xFFFF  }
0x151: {  	[sflag:s0] =	ssyncadd.tile.s32 @!p0 $0x1;
	_ =	shalt  }
.Lfunc_end2:
_tile_overlayer_lowered:
.L_overlay_start_2:
0x152: {  	(tag) =	ssettag $0x2  }
0x153: {  	s0 =	rddreg [dreg:$0x0];
	s2 =	stileid.u32  }
0x154: {  	s1 =	rddreg [dreg:$0x1];
	p0 =	sne.s32 s2, $0x0  }
0x155: {  	s3 =	rddreg [dreg:$0x2];
	[bflag:$0x3] =	sbarrier.arrive $0xFFFF;
	s2 =	simm.s32 @!p0 $0x1C03  }
0x156: {  	[timem:s3], [sflag:s2] =	dma.local @!p0 [hbm:s0], s1  }
0x157: {  	s0 =	simm.s32 @!p0 $0x3  }
0x158: {  	_ =	swait.ge @!p0 [sflag:s0], s1  }
0x159: {  	s1 =	ssub.s32 @!p0 $0x0, s1;
	[sflag:s0] =	ssyncset.done @!p0 $0x0  }
0x15a: {  	[sflag:s0] =	ssyncadd.s32 @!p0 s1  }
0x15b: {  	[bflag:$0x3] =	sbarrier.arrive $0xFFFF  }
0x15c: {  	_ =	shalt  }

</sc_bundles>
